<compile_context>
chip_gen: v7x
topology: tpu7x:2x2x1
jax: 0.10.2.dev20260603
libtpu: 0.0.44.dev20260713+nightly
codegen_flags: <defaults>
</compile_context>

<pallas_src>
import functools

import jax
import jax.numpy as jnp
from jax import lax
from jax.experimental import pallas as pl
from jax.experimental.pallas import tpu as pltpu
from jax.experimental.pallas import tpu_sc as plsc

N_NODES = 10000
N_EDGES = 320000
FDIM = 128

NC = 2
NS = 16
NW = NC * NS
CHUNK = 128
E_PAD = ((N_EDGES + NW * CHUNK - 1) // (NW * CHUNK)) * (NW * CHUNK)
EPW = E_PAD // NW
CPW = EPW // CHUNK
ROWS_PT = (N_NODES // NS) // 8 * 8
ROWS_TAIL = N_NODES - ROWS_PT * NS
ACC_ROWS = N_NODES + 8

_MESH = plsc.VectorSubcoreMesh(core_axis_name="c", subcore_axis_name="s")


def _init_acc(acc, sid, rows):
    r0 = sid * ROWS_PT
    nfull = ROWS_PT // CHUNK
    rem = ROWS_PT % CHUNK
    for j in range(nfull):
        pltpu.sync_copy(rows, acc.at[pl.ds(r0 + j * CHUNK, CHUNK)])
    if rem:
        pltpu.sync_copy(
            rows.at[pl.ds(0, rem)], acc.at[pl.ds(r0 + nfull * CHUNK, rem)]
        )

    @pl.when(sid == NS - 1)
    def _():
        pltpu.sync_copy(
            rows.at[pl.ds(0, ROWS_TAIL)],
            acc.at[pl.ds(ROWS_PT * NS, ROWS_TAIL)],
        )


def _copy_out(acc, cid, sid, out):
    r0 = sid * ROWS_PT
    o0 = pl.multiple_of(cid * N_NODES + r0, 8)
    pltpu.sync_copy(acc.at[pl.ds(r0, ROWS_PT)], out.at[pl.ds(o0, ROWS_PT)])
    ot = pl.multiple_of(cid * N_NODES + ROWS_PT * NS, 8)

    @pl.when(sid == NS - 1)
    def _():
        pltpu.sync_copy(
            acc.at[pl.ds(ROWS_PT * NS, ROWS_TAIL)], out.at[pl.ds(ot, ROWS_TAIL)]
        )


def _seg_sum_body(src_hbm, dst_hbm, h_hbm, zeros_hbm, out_s, sidx, didx, rows,
                  acc_s, sem):
    cid = lax.axis_index("c")
    sid = lax.axis_index("s")
    wid = cid * NS + sid

    pltpu.sync_copy(zeros_hbm, rows)
    _init_acc(acc_s, sid, rows)
    plsc.subcore_barrier()

    base = wid * EPW

    def chunk_body(j, _):
        off = pl.multiple_of(base + j * CHUNK, CHUNK)
        pltpu.sync_copy(src_hbm.at[pl.ds(off, CHUNK)], sidx)
        pltpu.sync_copy(dst_hbm.at[pl.ds(off, CHUNK)], didx)
        pltpu.async_copy(h_hbm.at[sidx], rows, sem).wait()
        pltpu.sync_copy(rows, acc_s.at[didx], add=True)
        return 0

    lax.fori_loop(0, CPW, chunk_body, 0)
    plsc.subcore_barrier()
    _copy_out(acc_s, cid, sid, out_s)


_seg_sum = pl.kernel(
    _seg_sum_body,
    out_type=jax.ShapeDtypeStruct((NC * N_NODES, FDIM), jnp.float32),
    mesh=_MESH,
    scratch_types=[
        pltpu.VMEM((CHUNK,), jnp.int32),
        pltpu.VMEM((CHUNK,), jnp.int32),
        pltpu.VMEM((CHUNK, FDIM), jnp.float32),
        pltpu.VMEM_SHARED((ACC_ROWS, FDIM), jnp.float32),
        pltpu.SemaphoreType.DMA,
    ],
)


def _counts_body(dst_hbm, zeros_hbm, ones_hbm, out_c, didx, rows, obuf, acc_c):
    cid = lax.axis_index("c")
    sid = lax.axis_index("s")
    wid = cid * NS + sid

    pltpu.sync_copy(zeros_hbm, rows)
    pltpu.sync_copy(ones_hbm, obuf)
    _init_acc(acc_c, sid, rows)
    plsc.subcore_barrier()

    base = wid * EPW

    def chunk_body(j, _):
        off = pl.multiple_of(base + j * CHUNK, CHUNK)
        pltpu.sync_copy(dst_hbm.at[pl.ds(off, CHUNK)], didx)
        pltpu.sync_copy(obuf, acc_c.at[didx], add=True)
        return 0

    lax.fori_loop(0, CPW, chunk_body, 0)
    plsc.subcore_barrier()
    _copy_out(acc_c, cid, sid, out_c)


_counts = pl.kernel(
    _counts_body,
    out_type=jax.ShapeDtypeStruct((NC * N_NODES, FDIM), jnp.float32),
    mesh=_MESH,
    scratch_types=[
        pltpu.VMEM((CHUNK,), jnp.int32),
        pltpu.VMEM((CHUNK, FDIM), jnp.float32),
        pltpu.VMEM((CHUNK, FDIM), jnp.float32),
        pltpu.VMEM_SHARED((ACC_ROWS, FDIM), jnp.float32),
    ],
)

_BLK = 2000


def _combine_body(relu, s_ref, c_ref, h_ref, wn_ref, ws_ref, b_ref, o_ref):
    s = s_ref[0] + s_ref[1]
    cnt = c_ref[0][:, :1] + c_ref[1][:, :1]
    agg = s / jnp.maximum(cnt, 1.0)
    y = jnp.dot(agg, wn_ref[...], preferred_element_type=jnp.float32)
    y = y + jnp.dot(h_ref[...], ws_ref[...], preferred_element_type=jnp.float32)
    y = y + b_ref[...]
    if relu:
        y = jnp.maximum(y, 0.0)
    o_ref[...] = y


def _make_combine(relu):
    return pl.pallas_call(
        functools.partial(_combine_body, relu),
        grid=(N_NODES // _BLK,),
        in_specs=[
            pl.BlockSpec((NC, _BLK, FDIM), lambda i: (0, i, 0)),
            pl.BlockSpec((NC, _BLK, FDIM), lambda i: (0, i, 0)),
            pl.BlockSpec((_BLK, FDIM), lambda i: (i, 0)),
            pl.BlockSpec((FDIM, FDIM), lambda i: (0, 0)),
            pl.BlockSpec((FDIM, FDIM), lambda i: (0, 0)),
            pl.BlockSpec((1, FDIM), lambda i: (0, 0)),
        ],
        out_specs=pl.BlockSpec((_BLK, FDIM), lambda i: (i, 0)),
        out_shape=jax.ShapeDtypeStruct((N_NODES, FDIM), jnp.float32),
    )


_combine_relu = _make_combine(True)
_combine_last = _make_combine(False)


def kernel(x, edge_index, W_self_0, W_neigh_0, b_0, W_self_1, W_neigh_1, b_1,
           W_self_2, W_neigh_2, b_2):
    src = edge_index[0]
    dst = edge_index[1]
    pad = E_PAD - N_EDGES
    src_p = jnp.concatenate([src, jnp.zeros((pad,), jnp.int32)])
    dst_p = jnp.concatenate([dst, jnp.full((pad,), N_NODES, jnp.int32)])
    zeros = jnp.zeros((CHUNK, FDIM), jnp.float32)
    ones = jnp.ones((CHUNK, FDIM), jnp.float32)

    cnt = _counts(dst_p, zeros, ones).reshape(NC, N_NODES, FDIM)

    params = [
        (W_self_0, W_neigh_0, b_0),
        (W_self_1, W_neigh_1, b_1),
        (W_self_2, W_neigh_2, b_2),
    ]
    h = x
    for i, (Ws, Wn, b) in enumerate(params):
        S = _seg_sum(src_p, dst_p, h, zeros)
        combine = _combine_relu if i < 2 else _combine_last
        h = combine(
            S.reshape(NC, N_NODES, FDIM), cnt, h, Wn, Ws, b.reshape(1, FDIM)
        )
    return h

# --- scband reference (transcript-rebuilt; emitter-appended) ---
"""Pipeline reference for scband-graph-sagerecommender-1039382086190 (READ-ONLY COPY).

The authoritative reference and input builder live on the scoring server;
editing this copy changes nothing except your own understanding.
"""

import jax, jax.numpy as jnp
import numpy as np

N = 10000
E = 320000
D = 128
H = 128
L = 3


def setup_inputs(seed: int = 0) -> dict:
    key = jax.random.key(seed)
    ks = jax.random.split(key, 2 + 3 * L)
    x = jax.random.normal(ks[0], (N, D), dtype=jnp.float32)
    edge_index = jax.random.randint(ks[1], (2, E), 0, N, dtype=jnp.int32)
    inp = {"x": x, "edge_index": edge_index}
    for i in range(L):
        in_dim = D if i == 0 else H
        inp[f"W_self_{i}"] = jax.random.normal(ks[2 + 3 * i], (in_dim, H), dtype=jnp.float32) * 0.05
        inp[f"W_neigh_{i}"] = jax.random.normal(ks[3 + 3 * i], (in_dim, H), dtype=jnp.float32) * 0.05
        inp[f"b_{i}"] = jnp.zeros((H,), dtype=jnp.float32)
    return inp


def _sage_layer(x, src, dst, W_self, W_neigh, b):
    # mean aggregation of neighbor (src) features onto dst nodes
    msgs = jnp.take(x, src, axis=0)
    agg = jax.ops.segment_sum(msgs, dst, num_segments=N)
    cnt = jax.ops.segment_sum(jnp.ones((src.shape[0], 1), dtype=jnp.float32), dst, num_segments=N)
    agg = agg / jnp.maximum(cnt, 1.0)
    # SAGEConv: lin_l(agg) + lin_r(x) + bias
    return agg @ W_neigh + x @ W_self + b


def reference(x, edge_index, W_self_0, W_neigh_0, b_0, W_self_1, W_neigh_1, b_1, W_self_2, W_neigh_2, b_2):
    src = edge_index[0]
    dst = edge_index[1]
    params = [(W_self_0, W_neigh_0, b_0), (W_self_1, W_neigh_1, b_1), (W_self_2, W_neigh_2, b_2)]
    h = x
    for i, (Ws, Wn, b) in enumerate(params):
        h = _sage_layer(h, src, dst, Ws, Wn, b)
        if i < L - 1:
            h = jax.nn.relu(h)
            # dropout p=0.5 is identity in eval mode
    return h

if __name__ == "__main__":
    import jax
    _d = setup_inputs()
    print(jax.jit(kernel)(*tuple(_d.values())))

</pallas_src>

<mosaic_0001>
#map = affine_map<(d0, d1) -> (0)>
#map1 = affine_map<(d0, d1) -> (0, 0)>
module attributes {stable_mosaic.version = 14 : i64} {
  func.func @_seg_sum_body(%arg0: i32, %arg1: i32, %arg2: memref<323584xi32, #tpu.memory_space<hbm>>, %arg3: memref<323584xi32, #tpu.memory_space<hbm>>, %arg4: memref<10000x128xf32, #tpu.memory_space<hbm>>, %arg5: memref<128x128xf32, #tpu.memory_space<hbm>>, %arg6: memref<20000x128xf32, #tpu.memory_space<hbm>>, %arg7: memref<128xi32, #tpu.memory_space<vmem>>, %arg8: memref<128xi32, #tpu.memory_space<vmem>>, %arg9: memref<128x128xf32, #tpu.memory_space<vmem>>, %arg10: memref<10008x128xf32, #tpu.memory_space<vmem_shared>>, %arg11: memref<!tpu.dma_semaphore, #tpu.memory_space<semaphore_mem>>) attributes {dimension_semantics = [#tpu.dimension_semantics<core_parallel>, #tpu.dimension_semantics<subcore_parallel>], iteration_bounds = array<i64: 2, 16>, scalar_prefetch = 0 : i64, scratch_operands = 5 : i64, tpu.core_type = #tpu.core_type<sc_vector_subcore>, window_params = [{transform_indices = #map}, {transform_indices = #map}, {transform_indices = #map1}, {transform_indices = #map1}, {transform_indices = #map1}]} {
    %mul3A = arith.constant 16 : i32
    %mul3A_0 = arith.muli %arg0, %mul3A : i32
    %add3A = arith.addi %mul3A_0, %arg1 : i32
    "tpu.region"() ({
      %run_scoped3A = tpu.sem_alloc : memref<!tpu.dma_semaphore, #tpu.memory_space<semaphore_mem>>
      tpu.enqueue_dma source(%arg5 : memref<128x128xf32, #tpu.memory_space<hbm>>) target(%arg9 : memref<128x128xf32, #tpu.memory_space<vmem>>) target_semaphore(%run_scoped3A : memref<!tpu.dma_semaphore, #tpu.memory_space<semaphore_mem>>)
      tpu.wait_dma2 semaphore(%run_scoped3A : memref<!tpu.dma_semaphore, #tpu.memory_space<semaphore_mem>>) src(%arg5 : memref<128x128xf32, #tpu.memory_space<hbm>>) dst(%arg9 : memref<128x128xf32, #tpu.memory_space<vmem>>)
      tpu.yield
    }) : () -> ()
    %mul3A_1 = arith.constant 624 : i32
    %mul3A_2 = arith.muli %arg1, %mul3A_1 : i32
    %add3A_3 = arith.constant 0 : i32
    %add3A_4 = arith.addi %mul3A_2, %add3A_3 : i32
    "tpu.region"() ({
      %run_scoped3A = tpu.sem_alloc : memref<!tpu.dma_semaphore, #tpu.memory_space<semaphore_mem>>
      %dma_start3A = arith.constant 0 : i32
      %dma_start3A_39 = tpu.memref_slice %arg10[%add3A_4, %dma_start3A] : memref<10008x128xf32, #tpu.memory_space<vmem_shared>> -> memref<128x128xf32, #tpu.memory_space<vmem_shared>>
      %dma_start3A_40 = arith.constant 0 : i32
      %dma_start3A_41 = tpu.memref_slice %arg10[%add3A_4, %dma_start3A_40] : memref<10008x128xf32, #tpu.memory_space<vmem_shared>> -> memref<128x128xf32, #tpu.memory_space<vmem_shared>>
      tpu.enqueue_dma source(%arg9 : memref<128x128xf32, #tpu.memory_space<vmem>>) target(%dma_start3A_41 : memref<128x128xf32, #tpu.memory_space<vmem_shared>>) target_semaphore(%run_scoped3A : memref<!tpu.dma_semaphore, #tpu.memory_space<semaphore_mem>>)
      %dma_wait3A = arith.constant 0 : i32
      %dma_wait3A_42 = tpu.memref_slice %arg10[%add3A_4, %dma_wait3A] : memref<10008x128xf32, #tpu.memory_space<vmem_shared>> -> memref<128x128xf32, #tpu.memory_space<vmem_shared>>
      %dma_wait3A_43 = arith.constant 0 : i32
      %dma_wait3A_44 = tpu.memref_slice %arg10[%add3A_4, %dma_wait3A_43] : memref<10008x128xf32, #tpu.memory_space<vmem_shared>> -> memref<128x128xf32, #tpu.memory_space<vmem_shared>>
      tpu.wait_dma2 semaphore(%run_scoped3A : memref<!tpu.dma_semaphore, #tpu.memory_space<semaphore_mem>>) src(%arg9 : memref<128x128xf32, #tpu.memory_space<vmem>>) dst(%dma_wait3A_44 : memref<128x128xf32, #tpu.memory_space<vmem_shared>>)
      tpu.yield
    }) : () -> ()
    %add3A_5 = arith.constant 128 : i32
    %add3A_6 = arith.addi %mul3A_2, %add3A_5 : i32
    "tpu.region"() ({
      %run_scoped3A = tpu.sem_alloc : memref<!tpu.dma_semaphore, #tpu.memory_space<semaphore_mem>>
      %dma_start3A = arith.constant 0 : i32
      %dma_start3A_39 = tpu.memref_slice %arg10[%add3A_6, %dma_start3A] : memref<10008x128xf32, #tpu.memory_space<vmem_shared>> -> memref<128x128xf32, #tpu.memory_space<vmem_shared>>
      %dma_start3A_40 = arith.constant 0 : i32
      %dma_start3A_41 = tpu.memref_slice %arg10[%add3A_6, %dma_start3A_40] : memref<10008x128xf32, #tpu.memory_space<vmem_shared>> -> memref<128x128xf32, #tpu.memory_space<vmem_shared>>
      tpu.enqueue_dma source(%arg9 : memref<128x128xf32, #tpu.memory_space<vmem>>) target(%dma_start3A_41 : memref<128x128xf32, #tpu.memory_space<vmem_shared>>) target_semaphore(%run_scoped3A : memref<!tpu.dma_semaphore, #tpu.memory_space<semaphore_mem>>)
      %dma_wait3A = arith.constant 0 : i32
      %dma_wait3A_42 = tpu.memref_slice %arg10[%add3A_6, %dma_wait3A] : memref<10008x128xf32, #tpu.memory_space<vmem_shared>> -> memref<128x128xf32, #tpu.memory_space<vmem_shared>>
      %dma_wait3A_43 = arith.constant 0 : i32
      %dma_wait3A_44 = tpu.memref_slice %arg10[%add3A_6, %dma_wait3A_43] : memref<10008x128xf32, #tpu.memory_space<vmem_shared>> -> memref<128x128xf32, #tpu.memory_space<vmem_shared>>
      tpu.wait_dma2 semaphore(%run_scoped3A : memref<!tpu.dma_semaphore, #tpu.memory_space<semaphore_mem>>) src(%arg9 : memref<128x128xf32, #tpu.memory_space<vmem>>) dst(%dma_wait3A_44 : memref<128x128xf32, #tpu.memory_space<vmem_shared>>)
      tpu.yield
    }) : () -> ()
    %add3A_7 = arith.constant 256 : i32
    %add3A_8 = arith.addi %mul3A_2, %add3A_7 : i32
    "tpu.region"() ({
      %run_scoped3A = tpu.sem_alloc : memref<!tpu.dma_semaphore, #tpu.memory_space<semaphore_mem>>
      %dma_start3A = arith.constant 0 : i32
      %dma_start3A_39 = tpu.memref_slice %arg10[%add3A_8, %dma_start3A] : memref<10008x128xf32, #tpu.memory_space<vmem_shared>> -> memref<128x128xf32, #tpu.memory_space<vmem_shared>>
      %dma_start3A_40 = arith.constant 0 : i32
      %dma_start3A_41 = tpu.memref_slice %arg10[%add3A_8, %dma_start3A_40] : memref<10008x128xf32, #tpu.memory_space<vmem_shared>> -> memref<128x128xf32, #tpu.memory_space<vmem_shared>>
      tpu.enqueue_dma source(%arg9 : memref<128x128xf32, #tpu.memory_space<vmem>>) target(%dma_start3A_41 : memref<128x128xf32, #tpu.memory_space<vmem_shared>>) target_semaphore(%run_scoped3A : memref<!tpu.dma_semaphore, #tpu.memory_space<semaphore_mem>>)
      %dma_wait3A = arith.constant 0 : i32
      %dma_wait3A_42 = tpu.memref_slice %arg10[%add3A_8, %dma_wait3A] : memref<10008x128xf32, #tpu.memory_space<vmem_shared>> -> memref<128x128xf32, #tpu.memory_space<vmem_shared>>
      %dma_wait3A_43 = arith.constant 0 : i32
      %dma_wait3A_44 = tpu.memref_slice %arg10[%add3A_8, %dma_wait3A_43] : memref<10008x128xf32, #tpu.memory_space<vmem_shared>> -> memref<128x128xf32, #tpu.memory_space<vmem_shared>>
      tpu.wait_dma2 semaphore(%run_scoped3A : memref<!tpu.dma_semaphore, #tpu.memory_space<semaphore_mem>>) src(%arg9 : memref<128x128xf32, #tpu.memory_space<vmem>>) dst(%dma_wait3A_44 : memref<128x128xf32, #tpu.memory_space<vmem_shared>>)
      tpu.yield
    }) : () -> ()
    %add3A_9 = arith.constant 384 : i32
    %add3A_10 = arith.addi %mul3A_2, %add3A_9 : i32
    "tpu.region"() ({
      %run_scoped3A = tpu.sem_alloc : memref<!tpu.dma_semaphore, #tpu.memory_space<semaphore_mem>>
      %dma_start3A = arith.constant 0 : i32
      %dma_start3A_39 = tpu.memref_slice %arg10[%add3A_10, %dma_start3A] : memref<10008x128xf32, #tpu.memory_space<vmem_shared>> -> memref<128x128xf32, #tpu.memory_space<vmem_shared>>
      %dma_start3A_40 = arith.constant 0 : i32
      %dma_start3A_41 = tpu.memref_slice %arg10[%add3A_10, %dma_start3A_40] : memref<10008x128xf32, #tpu.memory_space<vmem_shared>> -> memref<128x128xf32, #tpu.memory_space<vmem_shared>>
      tpu.enqueue_dma source(%arg9 : memref<128x128xf32, #tpu.memory_space<vmem>>) target(%dma_start3A_41 : memref<128x128xf32, #tpu.memory_space<vmem_shared>>) target_semaphore(%run_scoped3A : memref<!tpu.dma_semaphore, #tpu.memory_space<semaphore_mem>>)
      %dma_wait3A = arith.constant 0 : i32
      %dma_wait3A_42 = tpu.memref_slice %arg10[%add3A_10, %dma_wait3A] : memref<10008x128xf32, #tpu.memory_space<vmem_shared>> -> memref<128x128xf32, #tpu.memory_space<vmem_shared>>
      %dma_wait3A_43 = arith.constant 0 : i32
      %dma_wait3A_44 = tpu.memref_slice %arg10[%add3A_10, %dma_wait3A_43] : memref<10008x128xf32, #tpu.memory_space<vmem_shared>> -> memref<128x128xf32, #tpu.memory_space<vmem_shared>>
      tpu.wait_dma2 semaphore(%run_scoped3A : memref<!tpu.dma_semaphore, #tpu.memory_space<semaphore_mem>>) src(%arg9 : memref<128x128xf32, #tpu.memory_space<vmem>>) dst(%dma_wait3A_44 : memref<128x128xf32, #tpu.memory_space<vmem_shared>>)
      tpu.yield
    }) : () -> ()
    %add3A_11 = arith.constant 512 : i32
    %add3A_12 = arith.addi %mul3A_2, %add3A_11 : i32
    "tpu.region"() ({
      %run_scoped3A = tpu.sem_alloc : memref<!tpu.dma_semaphore, #tpu.memory_space<semaphore_mem>>
      %dma_start3A = arith.constant 0 : i32
      %dma_start3A_39 = arith.constant 0 : i32
      %dma_start3A_40 = tpu.memref_slice %arg9[%dma_start3A, %dma_start3A_39] : memref<128x128xf32, #tpu.memory_space<vmem>> -> memref<112x128xf32, #tpu.memory_space<vmem>>
      %dma_start3A_41 = arith.constant 0 : i32
      %dma_start3A_42 = tpu.memref_slice %arg10[%add3A_12, %dma_start3A_41] : memref<10008x128xf32, #tpu.memory_space<vmem_shared>> -> memref<112x128xf32, #tpu.memory_space<vmem_shared>>
      %dma_start3A_43 = arith.constant 0 : i32
      %dma_start3A_44 = tpu.memref_slice %arg10[%add3A_12, %dma_start3A_43] : memref<10008x128xf32, #tpu.memory_space<vmem_shared>> -> memref<112x128xf32, #tpu.memory_space<vmem_shared>>
      %dma_start3A_45 = arith.constant 0 : i32
      %dma_start3A_46 = arith.constant 0 : i32
      %dma_start3A_47 = tpu.memref_slice %arg9[%dma_start3A_45, %dma_start3A_46] : memref<128x128xf32, #tpu.memory_space<vmem>> -> memref<112x128xf32, #tpu.memory_space<vmem>>
      tpu.enqueue_dma source(%dma_start3A_47 : memref<112x128xf32, #tpu.memory_space<vmem>>) target(%dma_start3A_44 : memref<112x128xf32, #tpu.memory_space<vmem_shared>>) target_semaphore(%run_scoped3A : memref<!tpu.dma_semaphore, #tpu.memory_space<semaphore_mem>>)
      %dma_wait3A = arith.constant 0 : i32
      %dma_wait3A_48 = arith.constant 0 : i32
      %dma_wait3A_49 = tpu.memref_slice %arg9[%dma_wait3A, %dma_wait3A_48] : memref<128x128xf32, #tpu.memory_space<vmem>> -> memref<112x128xf32, #tpu.memory_space<vmem>>
      %dma_wait3A_50 = arith.constant 0 : i32
      %dma_wait3A_51 = tpu.memref_slice %arg10[%add3A_12, %dma_wait3A_50] : memref<10008x128xf32, #tpu.memory_space<vmem_shared>> -> memref<112x128xf32, #tpu.memory_space<vmem_shared>>
      %dma_wait3A_52 = arith.constant 0 : i32
      %dma_wait3A_53 = tpu.memref_slice %arg10[%add3A_12, %dma_wait3A_52] : memref<10008x128xf32, #tpu.memory_space<vmem_shared>> -> memref<112x128xf32, #tpu.memory_space<vmem_shared>>
      %dma_wait3A_54 = arith.constant 0 : i32
      %dma_wait3A_55 = arith.constant 0 : i32
      %dma_wait3A_56 = tpu.memref_slice %arg9[%dma_wait3A_54, %dma_wait3A_55] : memref<128x128xf32, #tpu.memory_space<vmem>> -> memref<112x128xf32, #tpu.memory_space<vmem>>
      tpu.wait_dma2 semaphore(%run_scoped3A : memref<!tpu.dma_semaphore, #tpu.memory_space<semaphore_mem>>) src(%dma_wait3A_56 : memref<112x128xf32, #tpu.memory_space<vmem>>) dst(%dma_wait3A_53 : memref<112x128xf32, #tpu.memory_space<vmem_shared>>)
      tpu.yield
    }) : () -> ()
    %eq3A = arith.constant 15 : i32
    %eq3A_13 = arith.cmpi eq, %arg1, %eq3A : i32
    %convert_element_type3A = arith.extui %eq3A_13 : i1 to i32
    %cond3A = arith.constant 0 : i32
    %cond3A_14 = arith.cmpi ne, %convert_element_type3A, %cond3A : i32
    scf.if %cond3A_14 {
      "tpu.region"() ({
        %run_scoped3A = tpu.sem_alloc : memref<!tpu.dma_semaphore, #tpu.memory_space<semaphore_mem>>
        %dma_start3A = arith.constant 0 : i32
        %dma_start3A_39 = arith.constant 0 : i32
        %dma_start3A_40 = tpu.memref_slice %arg9[%dma_start3A, %dma_start3A_39] : memref<128x128xf32, #tpu.memory_space<vmem>> -> memref<16x128xf32, #tpu.memory_space<vmem>>
        %dma_start3A_41 = arith.constant 9984 : i32
        %dma_start3A_42 = arith.constant 0 : i32
        %dma_start3A_43 = tpu.memref_slice %arg10[%dma_start3A_41, %dma_start3A_42] : memref<10008x128xf32, #tpu.memory_space<vmem_shared>> -> memref<16x128xf32, #tpu.memory_space<vmem_shared>>
        %dma_start3A_44 = arith.constant 9984 : i32
        %dma_start3A_45 = arith.constant 0 : i32
        %dma_start3A_46 = tpu.memref_slice %arg10[%dma_start3A_44, %dma_start3A_45] : memref<10008x128xf32, #tpu.memory_space<vmem_shared>> -> memref<16x128xf32, #tpu.memory_space<vmem_shared>>
        %dma_start3A_47 = arith.constant 0 : i32
        %dma_start3A_48 = arith.constant 0 : i32
        %dma_start3A_49 = tpu.memref_slice %arg9[%dma_start3A_47, %dma_start3A_48] : memref<128x128xf32, #tpu.memory_space<vmem>> -> memref<16x128xf32, #tpu.memory_space<vmem>>
        tpu.enqueue_dma source(%dma_start3A_49 : memref<16x128xf32, #tpu.memory_space<vmem>>) target(%dma_start3A_46 : memref<16x128xf32, #tpu.memory_space<vmem_shared>>) target_semaphore(%run_scoped3A : memref<!tpu.dma_semaphore, #tpu.memory_space<semaphore_mem>>)
        %dma_wait3A = arith.constant 0 : i32
        %dma_wait3A_50 = arith.constant 0 : i32
        %dma_wait3A_51 = tpu.memref_slice %arg9[%dma_wait3A, %dma_wait3A_50] : memref<128x128xf32, #tpu.memory_space<vmem>> -> memref<16x128xf32, #tpu.memory_space<vmem>>
        %dma_wait3A_52 = arith.constant 9984 : i32
        %dma_wait3A_53 = arith.constant 0 : i32
        %dma_wait3A_54 = tpu.memref_slice %arg10[%dma_wait3A_52, %dma_wait3A_53] : memref<10008x128xf32, #tpu.memory_space<vmem_shared>> -> memref<16x128xf32, #tpu.memory_space<vmem_shared>>
        %dma_wait3A_55 = arith.constant 9984 : i32
        %dma_wait3A_56 = arith.constant 0 : i32
        %dma_wait3A_57 = tpu.memref_slice %arg10[%dma_wait3A_55, %dma_wait3A_56] : memref<10008x128xf32, #tpu.memory_space<vmem_shared>> -> memref<16x128xf32, #tpu.memory_space<vmem_shared>>
        %dma_wait3A_58 = arith.constant 0 : i32
        %dma_wait3A_59 = arith.constant 0 : i32
        %dma_wait3A_60 = tpu.memref_slice %arg9[%dma_wait3A_58, %dma_wait3A_59] : memref<128x128xf32, #tpu.memory_space<vmem>> -> memref<16x128xf32, #tpu.memory_space<vmem>>
        tpu.wait_dma2 semaphore(%run_scoped3A : memref<!tpu.dma_semaphore, #tpu.memory_space<semaphore_mem>>) src(%dma_wait3A_60 : memref<16x128xf32, #tpu.memory_space<vmem>>) dst(%dma_wait3A_57 : memref<16x128xf32, #tpu.memory_space<vmem_shared>>)
        tpu.yield
      }) : () -> ()
    } else {
    }
    %barrier3A = arith.constant 0 : index
    tpu.barrier barrier_id(%barrier3A)
    %mul3A_15 = arith.constant 10112 : i32
    %mul3A_16 = arith.muli %add3A, %mul3A_15 : i32
    %scan3A = arith.constant 0 : i32
    %scan3A_17 = arith.constant 0 : i32
    %scan3A_18 = arith.constant 79 : i32
    %scan3A_19 = arith.addi %scan3A_17, %scan3A_18 : i32
    %scan3A_20 = arith.constant 1 : i32
    %scan3A_21 = scf.for %scan3A_39 = %scan3A_17 to %scan3A_19 step %scan3A_20 iter_args(%scan3A_40 = %scan3A) -> (i32)  : i32 {
      %mul3A_41 = arith.constant 128 : i32
      %mul3A_42 = arith.muli %scan3A_39, %mul3A_41 : i32
      %add3A_43 = arith.addi %mul3A_16, %mul3A_42 : i32
      %multiple_of3A_44 = tpu.assume_multiple %add3A_43, 128 : i32
      "tpu.region"() ({
        %run_scoped3A = tpu.sem_alloc : memref<!tpu.dma_semaphore, #tpu.memory_space<semaphore_mem>>
        %dma_start3A_50 = tpu.memref_slice %arg2[%multiple_of3A_44] : memref<323584xi32, #tpu.memory_space<hbm>> -> memref<128xi32, #tpu.memory_space<hbm>>
        %dma_start3A_51 = tpu.memref_slice %arg2[%multiple_of3A_44] : memref<323584xi32, #tpu.memory_space<hbm>> -> memref<128xi32, #tpu.memory_space<hbm>>
        tpu.enqueue_dma source(%dma_start3A_51 : memref<128xi32, #tpu.memory_space<hbm>>) target(%arg7 : memref<128xi32, #tpu.memory_space<vmem>>) target_semaphore(%run_scoped3A : memref<!tpu.dma_semaphore, #tpu.memory_space<semaphore_mem>>)
        %dma_wait3A_52 = tpu.memref_slice %arg2[%multiple_of3A_44] : memref<323584xi32, #tpu.memory_space<hbm>> -> memref<128xi32, #tpu.memory_space<hbm>>
        %dma_wait3A_53 = tpu.memref_slice %arg2[%multiple_of3A_44] : memref<323584xi32, #tpu.memory_space<hbm>> -> memref<128xi32, #tpu.memory_space<hbm>>
        tpu.wait_dma2 semaphore(%run_scoped3A : memref<!tpu.dma_semaphore, #tpu.memory_space<semaphore_mem>>) src(%dma_wait3A_53 : memref<128xi32, #tpu.memory_space<hbm>>) dst(%arg7 : memref<128xi32, #tpu.memory_space<vmem>>)
        tpu.yield
      }) : () -> ()
      "tpu.region"() ({
        %run_scoped3A = tpu.sem_alloc : memref<!tpu.dma_semaphore, #tpu.memory_space<semaphore_mem>>
        %dma_start3A_50 = tpu.memref_slice %arg3[%multiple_of3A_44] : memref<323584xi32, #tpu.memory_space<hbm>> -> memref<128xi32, #tpu.memory_space<hbm>>
        %dma_start3A_51 = tpu.memref_slice %arg3[%multiple_of3A_44] : memref<323584xi32, #tpu.memory_space<hbm>> -> memref<128xi32, #tpu.memory_space<hbm>>
        tpu.enqueue_dma source(%dma_start3A_51 : memref<128xi32, #tpu.memory_space<hbm>>) target(%arg8 : memref<128xi32, #tpu.memory_space<vmem>>) target_semaphore(%run_scoped3A : memref<!tpu.dma_semaphore, #tpu.memory_space<semaphore_mem>>)
        %dma_wait3A_52 = tpu.memref_slice %arg3[%multiple_of3A_44] : memref<323584xi32, #tpu.memory_space<hbm>> -> memref<128xi32, #tpu.memory_space<hbm>>
        %dma_wait3A_53 = tpu.memref_slice %arg3[%multiple_of3A_44] : memref<323584xi32, #tpu.memory_space<hbm>> -> memref<128xi32, #tpu.memory_space<hbm>>
        tpu.wait_dma2 semaphore(%run_scoped3A : memref<!tpu.dma_semaphore, #tpu.memory_space<semaphore_mem>>) src(%dma_wait3A_53 : memref<128xi32, #tpu.memory_space<hbm>>) dst(%arg8 : memref<128xi32, #tpu.memory_space<vmem>>)
        tpu.yield
      }) : () -> ()
      %dma_start3A = arith.constant 0 : i32
      %dma_start3A_45 = arith.constant 0 : i32
      %dma_start3A_46 = tpu.memref_slice %arg4[%dma_start3A, %dma_start3A_45] : memref<10000x128xf32, #tpu.memory_space<hbm>> -> memref<10000x128xf32, #tpu.memory_space<hbm>>
      tpu.enqueue_indirect_dma source(%dma_start3A_46 : memref<10000x128xf32, #tpu.memory_space<hbm>>) target(%arg9 : memref<128x128xf32, #tpu.memory_space<vmem>>) offsets(%arg7 : memref<128xi32, #tpu.memory_space<vmem>>) semaphore(%arg11 : memref<!tpu.dma_semaphore, #tpu.memory_space<semaphore_mem>>)
      %dma_wait3A = arith.constant 0 : i32
      %dma_wait3A_47 = arith.constant 0 : i32
      %dma_wait3A_48 = tpu.memref_slice %arg4[%dma_wait3A, %dma_wait3A_47] : memref<10000x128xf32, #tpu.memory_space<hbm>> -> memref<10000x128xf32, #tpu.memory_space<hbm>>
      tpu.wait_indirect_dma semaphore(%arg11 : memref<!tpu.dma_semaphore, #tpu.memory_space<semaphore_mem>>) src(%dma_wait3A_48 : memref<10000x128xf32, #tpu.memory_space<hbm>>) dst(%arg9 : memref<128x128xf32, #tpu.memory_space<vmem>>)
      "tpu.region"() ({
        %run_scoped3A = tpu.sem_alloc : memref<!tpu.dma_semaphore, #tpu.memory_space<semaphore_mem>>
        %dma_start3A_50 = arith.constant 0 : i32
        %dma_start3A_51 = arith.constant 0 : i32
        %dma_start3A_52 = tpu.memref_slice %arg10[%dma_start3A_50, %dma_start3A_51] : memref<10008x128xf32, #tpu.memory_space<vmem_shared>> -> memref<10008x128xf32, #tpu.memory_space<vmem_shared>>
        tpu.enqueue_indirect_dma source(%arg9 : memref<128x128xf32, #tpu.memory_space<vmem>>) target(%dma_start3A_52 : memref<10008x128xf32, #tpu.memory_space<vmem_shared>>) offsets(%arg8 : memref<128xi32, #tpu.memory_space<vmem>>) semaphore(%run_scoped3A : memref<!tpu.dma_semaphore, #tpu.memory_space<semaphore_mem>>) {add = true}
        %dma_wait3A_53 = arith.constant 0 : i32
        %dma_wait3A_54 = arith.constant 0 : i32
        %dma_wait3A_55 = tpu.memref_slice %arg10[%dma_wait3A_53, %dma_wait3A_54] : memref<10008x128xf32, #tpu.memory_space<vmem_shared>> -> memref<10008x128xf32, #tpu.memory_space<vmem_shared>>
        tpu.wait_indirect_dma semaphore(%run_scoped3A : memref<!tpu.dma_semaphore, #tpu.memory_space<semaphore_mem>>) src(%arg9 : memref<128x128xf32, #tpu.memory_space<vmem>>) dst(%dma_wait3A_55 : memref<10008x128xf32, #tpu.memory_space<vmem_shared>>)
        tpu.yield
      }) : () -> ()
      %scan3A_49 = arith.constant 0 : i32
      scf.yield %scan3A_49 : i32
    }
    %scan3A_22 = arith.constant 79 : i32
    %barrier3A_23 = arith.constant 0 : index
    tpu.barrier barrier_id(%barrier3A_23)
    %mul3A_24 = arith.constant 624 : i32
    %mul3A_25 = arith.muli %arg1, %mul3A_24 : i32
    %mul3A_26 = arith.constant 10000 : i32
    %mul3A_27 = arith.muli %arg0, %mul3A_26 : i32
    %add3A_28 = arith.addi %mul3A_27, %mul3A_25 : i32
    %multiple_of3A = tpu.assume_multiple %add3A_28, 8 : i32
    "tpu.region"() ({
      %run_scoped3A = tpu.sem_alloc : memref<!tpu.dma_semaphore, #tpu.memory_space<semaphore_mem>>
      %dma_start3A = arith.constant 0 : i32
      %dma_start3A_39 = tpu.memref_slice %arg6[%multiple_of3A, %dma_start3A] : memref<20000x128xf32, #tpu.memory_space<hbm>> -> memref<624x128xf32, #tpu.memory_space<hbm>>
      %dma_start3A_40 = arith.constant 0 : i32
      %dma_start3A_41 = tpu.memref_slice %arg10[%mul3A_25, %dma_start3A_40] : memref<10008x128xf32, #tpu.memory_space<vmem_shared>> -> memref<624x128xf32, #tpu.memory_space<vmem_shared>>
      tpu.enqueue_dma source(%dma_start3A_41 : memref<624x128xf32, #tpu.memory_space<vmem_shared>>) target(%dma_start3A_39 : memref<624x128xf32, #tpu.memory_space<hbm>>) target_semaphore(%run_scoped3A : memref<!tpu.dma_semaphore, #tpu.memory_space<semaphore_mem>>)
      %dma_wait3A = arith.constant 0 : i32
      %dma_wait3A_42 = tpu.memref_slice %arg6[%multiple_of3A, %dma_wait3A] : memref<20000x128xf32, #tpu.memory_space<hbm>> -> memref<624x128xf32, #tpu.memory_space<hbm>>
      %dma_wait3A_43 = arith.constant 0 : i32
      %dma_wait3A_44 = tpu.memref_slice %arg10[%mul3A_25, %dma_wait3A_43] : memref<10008x128xf32, #tpu.memory_space<vmem_shared>> -> memref<624x128xf32, #tpu.memory_space<vmem_shared>>
      tpu.wait_dma2 semaphore(%run_scoped3A : memref<!tpu.dma_semaphore, #tpu.memory_space<semaphore_mem>>) src(%dma_wait3A_44 : memref<624x128xf32, #tpu.memory_space<vmem_shared>>) dst(%dma_wait3A_42 : memref<624x128xf32, #tpu.memory_space<hbm>>)
      tpu.yield
    }) : () -> ()
    %mul3A_29 = arith.constant 10000 : i32
    %mul3A_30 = arith.muli %arg0, %mul3A_29 : i32
    %add3A_31 = arith.constant 9984 : i32
    %add3A_32 = arith.addi %mul3A_30, %add3A_31 : i32
    %multiple_of3A_33 = tpu.assume_multiple %add3A_32, 8 : i32
    %eq3A_34 = arith.constant 15 : i32
    %eq3A_35 = arith.cmpi eq, %arg1, %eq3A_34 : i32
    %convert_element_type3A_36 = arith.extui %eq3A_35 : i1 to i32
    %cond3A_37 = arith.constant 0 : i32
    %cond3A_38 = arith.cmpi ne, %convert_element_type3A_36, %cond3A_37 : i32
    scf.if %cond3A_38 {
      "tpu.region"() ({
        %run_scoped3A = tpu.sem_alloc : memref<!tpu.dma_semaphore, #tpu.memory_space<semaphore_mem>>
        %dma_start3A = arith.constant 0 : i32
        %dma_start3A_39 = tpu.memref_slice %arg6[%multiple_of3A_33, %dma_start3A] : memref<20000x128xf32, #tpu.memory_space<hbm>> -> memref<16x128xf32, #tpu.memory_space<hbm>>
        %dma_start3A_40 = arith.constant 9984 : i32
        %dma_start3A_41 = arith.constant 0 : i32
        %dma_start3A_42 = tpu.memref_slice %arg10[%dma_start3A_40, %dma_start3A_41] : memref<10008x128xf32, #tpu.memory_space<vmem_shared>> -> memref<16x128xf32, #tpu.memory_space<vmem_shared>>
        tpu.enqueue_dma source(%dma_start3A_42 : memref<16x128xf32, #tpu.memory_space<vmem_shared>>) target(%dma_start3A_39 : memref<16x128xf32, #tpu.memory_space<hbm>>) target_semaphore(%run_scoped3A : memref<!tpu.dma_semaphore, #tpu.memory_space<semaphore_mem>>)
        %dma_wait3A = arith.constant 0 : i32
        %dma_wait3A_43 = tpu.memref_slice %arg6[%multiple_of3A_33, %dma_wait3A] : memref<20000x128xf32, #tpu.memory_space<hbm>> -> memref<16x128xf32, #tpu.memory_space<hbm>>
        %dma_wait3A_44 = arith.constant 9984 : i32
        %dma_wait3A_45 = arith.constant 0 : i32
        %dma_wait3A_46 = tpu.memref_slice %arg10[%dma_wait3A_44, %dma_wait3A_45] : memref<10008x128xf32, #tpu.memory_space<vmem_shared>> -> memref<16x128xf32, #tpu.memory_space<vmem_shared>>
        tpu.wait_dma2 semaphore(%run_scoped3A : memref<!tpu.dma_semaphore, #tpu.memory_space<semaphore_mem>>) src(%dma_wait3A_46 : memref<16x128xf32, #tpu.memory_space<vmem_shared>>) dst(%dma_wait3A_43 : memref<16x128xf32, #tpu.memory_space<hbm>>)
        tpu.yield
      }) : () -> ()
    } else {
    }
    return
  }
}

#map = affine_map<(d0, d1) -> (0)>
#map1 = affine_map<(d0, d1) -> (0, 0)>
module attributes {stable_mosaic.version = 14 : i64} {
  func.func @_seg_sum_body(%arg0: i32, %arg1: i32, %arg2: memref<323584xi32, #tpu.memory_space<hbm>>, %arg3: memref<323584xi32, #tpu.memory_space<hbm>>, %arg4: memref<10000x128xf32, #tpu.memory_space<hbm>>, %arg5: memref<128x128xf32, #tpu.memory_space<hbm>>, %arg6: memref<20000x128xf32, #tpu.memory_space<hbm>>, %arg7: memref<128xi32, #tpu.memory_space<vmem>>, %arg8: memref<128xi32, #tpu.memory_space<vmem>>, %arg9: memref<128x128xf32, #tpu.memory_space<vmem>>, %arg10: memref<10008x128xf32, #tpu.memory_space<vmem_shared>>, %arg11: memref<!tpu.dma_semaphore, #tpu.memory_space<semaphore_mem>>) attributes {dimension_semantics = [#tpu.dimension_semantics<core_parallel>, #tpu.dimension_semantics<subcore_parallel>], iteration_bounds = array<i64: 2, 16>, scalar_prefetch = 0 : i64, scratch_operands = 5 : i64, tpu.core_type = #tpu.core_type<sc_vector_subcore>, window_params = [{transform_indices = #map}, {transform_indices = #map}, {transform_indices = #map1}, {transform_indices = #map1}, {transform_indices = #map1}]} {
    %mul3A = arith.constant 16 : i32
    %mul3A_0 = arith.muli %arg0, %mul3A : i32
    %add3A = arith.addi %mul3A_0, %arg1 : i32
    "tpu.region"() ({
      %run_scoped3A = tpu.sem_alloc : memref<!tpu.dma_semaphore, #tpu.memory_space<semaphore_mem>>
      tpu.enqueue_dma source(%arg5 : memref<128x128xf32, #tpu.memory_space<hbm>>) target(%arg9 : memref<128x128xf32, #tpu.memory_space<vmem>>) target_semaphore(%run_scoped3A : memref<!tpu.dma_semaphore, #tpu.memory_space<semaphore_mem>>)
      tpu.wait_dma2 semaphore(%run_scoped3A : memref<!tpu.dma_semaphore, #tpu.memory_space<semaphore_mem>>) src(%arg5 : memref<128x128xf32, #tpu.memory_space<hbm>>) dst(%arg9 : memref<128x128xf32, #tpu.memory_space<vmem>>)
      tpu.yield
    }) : () -> ()
    %mul3A_1 = arith.constant 624 : i32
    %mul3A_2 = arith.muli %arg1, %mul3A_1 : i32
    %add3A_3 = arith.constant 0 : i32
    %add3A_4 = arith.addi %mul3A_2, %add3A_3 : i32
    "tpu.region"() ({
      %run_scoped3A = tpu.sem_alloc : memref<!tpu.dma_semaphore, #tpu.memory_space<semaphore_mem>>
      %dma_start3A = arith.constant 0 : i32
      %dma_start3A_39 = tpu.memref_slice %arg10[%add3A_4, %dma_start3A] : memref<10008x128xf32, #tpu.memory_space<vmem_shared>> -> memref<128x128xf32, #tpu.memory_space<vmem_shared>>
      %dma_start3A_40 = arith.constant 0 : i32
      %dma_start3A_41 = tpu.memref_slice %arg10[%add3A_4, %dma_start3A_40] : memref<10008x128xf32, #tpu.memory_space<vmem_shared>> -> memref<128x128xf32, #tpu.memory_space<vmem_shared>>
      tpu.enqueue_dma source(%arg9 : memref<128x128xf32, #tpu.memory_space<vmem>>) target(%dma_start3A_41 : memref<128x128xf32, #tpu.memory_space<vmem_shared>>) target_semaphore(%run_scoped3A : memref<!tpu.dma_semaphore, #tpu.memory_space<semaphore_mem>>)
      %dma_wait3A = arith.constant 0 : i32
      %dma_wait3A_42 = tpu.memref_slice %arg10[%add3A_4, %dma_wait3A] : memref<10008x128xf32, #tpu.memory_space<vmem_shared>> -> memref<128x128xf32, #tpu.memory_space<vmem_shared>>
      %dma_wait3A_43 = arith.constant 0 : i32
      %dma_wait3A_44 = tpu.memref_slice %arg10[%add3A_4, %dma_wait3A_43] : memref<10008x128xf32, #tpu.memory_space<vmem_shared>> -> memref<128x128xf32, #tpu.memory_space<vmem_shared>>
      tpu.wait_dma2 semaphore(%run_scoped3A : memref<!tpu.dma_semaphore, #tpu.memory_space<semaphore_mem>>) src(%arg9 : memref<128x128xf32, #tpu.memory_space<vmem>>) dst(%dma_wait3A_44 : memref<128x128xf32, #tpu.memory_space<vmem_shared>>)
      tpu.yield
    }) : () -> ()
    %add3A_5 = arith.constant 128 : i32
    %add3A_6 = arith.addi %mul3A_2, %add3A_5 : i32
    "tpu.region"() ({
      %run_scoped3A = tpu.sem_alloc : memref<!tpu.dma_semaphore, #tpu.memory_space<semaphore_mem>>
      %dma_start3A = arith.constant 0 : i32
      %dma_start3A_39 = tpu.memref_slice %arg10[%add3A_6, %dma_start3A] : memref<10008x128xf32, #tpu.memory_space<vmem_shared>> -> memref<128x128xf32, #tpu.memory_space<vmem_shared>>
      %dma_start3A_40 = arith.constant 0 : i32
      %dma_start3A_41 = tpu.memref_slice %arg10[%add3A_6, %dma_start3A_40] : memref<10008x128xf32, #tpu.memory_space<vmem_shared>> -> memref<128x128xf32, #tpu.memory_space<vmem_shared>>
      tpu.enqueue_dma source(%arg9 : memref<128x128xf32, #tpu.memory_space<vmem>>) target(%dma_start3A_41 : memref<128x128xf32, #tpu.memory_space<vmem_shared>>) target_semaphore(%run_scoped3A : memref<!tpu.dma_semaphore, #tpu.memory_space<semaphore_mem>>)
      %dma_wait3A = arith.constant 0 : i32
      %dma_wait3A_42 = tpu.memref_slice %arg10[%add3A_6, %dma_wait3A] : memref<10008x128xf32, #tpu.memory_space<vmem_shared>> -> memref<128x128xf32, #tpu.memory_space<vmem_shared>>
      %dma_wait3A_43 = arith.constant 0 : i32
      %dma_wait3A_44 = tpu.memref_slice %arg10[%add3A_6, %dma_wait3A_43] : memref<10008x128xf32, #tpu.memory_space<vmem_shared>> -> memref<128x128xf32, #tpu.memory_space<vmem_shared>>
      tpu.wait_dma2 semaphore(%run_scoped3A : memref<!tpu.dma_semaphore, #tpu.memory_space<semaphore_mem>>) src(%arg9 : memref<128x128xf32, #tpu.memory_space<vmem>>) dst(%dma_wait3A_44 : memref<128x128xf32, #tpu.memory_space<vmem_shared>>)
      tpu.yield
    }) : () -> ()
    %add3A_7 = arith.constant 256 : i32
    %add3A_8 = arith.addi %mul3A_2, %add3A_7 : i32
    "tpu.region"() ({
      %run_scoped3A = tpu.sem_alloc : memref<!tpu.dma_semaphore, #tpu.memory_space<semaphore_mem>>
      %dma_start3A = arith.constant 0 : i32
      %dma_start3A_39 = tpu.memref_slice %arg10[%add3A_8, %dma_start3A] : memref<10008x128xf32, #tpu.memory_space<vmem_shared>> -> memref<128x128xf32, #tpu.memory_space<vmem_shared>>
      %dma_start3A_40 = arith.constant 0 : i32
      %dma_start3A_41 = tpu.memref_slice %arg10[%add3A_8, %dma_start3A_40] : memref<10008x128xf32, #tpu.memory_space<vmem_shared>> -> memref<128x128xf32, #tpu.memory_space<vmem_shared>>
      tpu.enqueue_dma source(%arg9 : memref<128x128xf32, #tpu.memory_space<vmem>>) target(%dma_start3A_41 : memref<128x128xf32, #tpu.memory_space<vmem_shared>>) target_semaphore(%run_scoped3A : memref<!tpu.dma_semaphore, #tpu.memory_space<semaphore_mem>>)
      %dma_wait3A = arith.constant 0 : i32
      %dma_wait3A_42 = tpu.memref_slice %arg10[%add3A_8, %dma_wait3A] : memref<10008x128xf32, #tpu.memory_space<vmem_shared>> -> memref<128x128xf32, #tpu.memory_space<vmem_shared>>
      %dma_wait3A_43 = arith.constant 0 : i32
      %dma_wait3A_44 = tpu.memref_slice %arg10[%add3A_8, %dma_wait3A_43] : memref<10008x128xf32, #tpu.memory_space<vmem_shared>> -> memref<128x128xf32, #tpu.memory_space<vmem_shared>>
      tpu.wait_dma2 semaphore(%run_scoped3A : memref<!tpu.dma_semaphore, #tpu.memory_space<semaphore_mem>>) src(%arg9 : memref<128x128xf32, #tpu.memory_space<vmem>>) dst(%dma_wait3A_44 : memref<128x128xf32, #tpu.memory_space<vmem_shared>>)
      tpu.yield
    }) : () -> ()
    %add3A_9 = arith.constant 384 : i32
    %add3A_10 = arith.addi %mul3A_2, %add3A_9 : i32
    "tpu.region"() ({
      %run_scoped3A = tpu.sem_alloc : memref<!tpu.dma_semaphore, #tpu.memory_space<semaphore_mem>>
      %dma_start3A = arith.constant 0 : i32
      %dma_start3A_39 = tpu.memref_slice %arg10[%add3A_10, %dma_start3A] : memref<10008x128xf32, #tpu.memory_space<vmem_shared>> -> memref<128x128xf32, #tpu.memory_space<vmem_shared>>
      %dma_start3A_40 = arith.constant 0 : i32
      %dma_start3A_41 = tpu.memref_slice %arg10[%add3A_10, %dma_start3A_40] : memref<10008x128xf32, #tpu.memory_space<vmem_shared>> -> memref<128x128xf32, #tpu.memory_space<vmem_shared>>
      tpu.enqueue_dma source(%arg9 : memref<128x128xf32, #tpu.memory_space<vmem>>) target(%dma_start3A_41 : memref<128x128xf32, #tpu.memory_space<vmem_shared>>) target_semaphore(%run_scoped3A : memref<!tpu.dma_semaphore, #tpu.memory_space<semaphore_mem>>)
      %dma_wait3A = arith.constant 0 : i32
      %dma_wait3A_42 = tpu.memref_slice %arg10[%add3A_10, %dma_wait3A] : memref<10008x128xf32, #tpu.memory_space<vmem_shared>> -> memref<128x128xf32, #tpu.memory_space<vmem_shared>>
      %dma_wait3A_43 = arith.constant 0 : i32
      %dma_wait3A_44 = tpu.memref_slice %arg10[%add3A_10, %dma_wait3A_43] : memref<10008x128xf32, #tpu.memory_space<vmem_shared>> -> memref<128x128xf32, #tpu.memory_space<vmem_shared>>
      tpu.wait_dma2 semaphore(%run_scoped3A : memref<!tpu.dma_semaphore, #tpu.memory_space<semaphore_mem>>) src(%arg9 : memref<128x128xf32, #tpu.memory_space<vmem>>) dst(%dma_wait3A_44 : memref<128x128xf32, #tpu.memory_space<vmem_shared>>)
      tpu.yield
    }) : () -> ()
    %add3A_11 = arith.constant 512 : i32
    %add3A_12 = arith.addi %mul3A_2, %add3A_11 : i32
    "tpu.region"() ({
      %run_scoped3A = tpu.sem_alloc : memref<!tpu.dma_semaphore, #tpu.memory_space<semaphore_mem>>
      %dma_start3A = arith.constant 0 : i32
      %dma_start3A_39 = arith.constant 0 : i32
      %dma_start3A_40 = tpu.memref_slice %arg9[%dma_start3A, %dma_start3A_39] : memref<128x128xf32, #tpu.memory_space<vmem>> -> memref<112x128xf32, #tpu.memory_space<vmem>>
      %dma_start3A_41 = arith.constant 0 : i32
      %dma_start3A_42 = tpu.memref_slice %arg10[%add3A_12, %dma_start3A_41] : memref<10008x128xf32, #tpu.memory_space<vmem_shared>> -> memref<112x128xf32, #tpu.memory_space<vmem_shared>>
      %dma_start3A_43 = arith.constant 0 : i32
      %dma_start3A_44 = tpu.memref_slice %arg10[%add3A_12, %dma_start3A_43] : memref<10008x128xf32, #tpu.memory_space<vmem_shared>> -> memref<112x128xf32, #tpu.memory_space<vmem_shared>>
      %dma_start3A_45 = arith.constant 0 : i32
      %dma_start3A_46 = arith.constant 0 : i32
      %dma_start3A_47 = tpu.memref_slice %arg9[%dma_start3A_45, %dma_start3A_46] : memref<128x128xf32, #tpu.memory_space<vmem>> -> memref<112x128xf32, #tpu.memory_space<vmem>>
      tpu.enqueue_dma source(%dma_start3A_47 : memref<112x128xf32, #tpu.memory_space<vmem>>) target(%dma_start3A_44 : memref<112x128xf32, #tpu.memory_space<vmem_shared>>) target_semaphore(%run_scoped3A : memref<!tpu.dma_semaphore, #tpu.memory_space<semaphore_mem>>)
      %dma_wait3A = arith.constant 0 : i32
      %dma_wait3A_48 = arith.constant 0 : i32
      %dma_wait3A_49 = tpu.memref_slice %arg9[%dma_wait3A, %dma_wait3A_48] : memref<128x128xf32, #tpu.memory_space<vmem>> -> memref<112x128xf32, #tpu.memory_space<vmem>>
      %dma_wait3A_50 = arith.constant 0 : i32
      %dma_wait3A_51 = tpu.memref_slice %arg10[%add3A_12, %dma_wait3A_50] : memref<10008x128xf32, #tpu.memory_space<vmem_shared>> -> memref<112x128xf32, #tpu.memory_space<vmem_shared>>
      %dma_wait3A_52 = arith.constant 0 : i32
      %dma_wait3A_53 = tpu.memref_slice %arg10[%add3A_12, %dma_wait3A_52] : memref<10008x128xf32, #tpu.memory_space<vmem_shared>> -> memref<112x128xf32, #tpu.memory_space<vmem_shared>>
      %dma_wait3A_54 = arith.constant 0 : i32
      %dma_wait3A_55 = arith.constant 0 : i32
      %dma_wait3A_56 = tpu.memref_slice %arg9[%dma_wait3A_54, %dma_wait3A_55] : memref<128x128xf32, #tpu.memory_space<vmem>> -> memref<112x128xf32, #tpu.memory_space<vmem>>
      tpu.wait_dma2 semaphore(%run_scoped3A : memref<!tpu.dma_semaphore, #tpu.memory_space<semaphore_mem>>) src(%dma_wait3A_56 : memref<112x128xf32, #tpu.memory_space<vmem>>) dst(%dma_wait3A_53 : memref<112x128xf32, #tpu.memory_space<vmem_shared>>)
      tpu.yield
    }) : () -> ()
    %eq3A = arith.constant 15 : i32
    %eq3A_13 = arith.cmpi eq, %arg1, %eq3A : i32
    %convert_element_type3A = arith.extui %eq3A_13 : i1 to i32
    %cond3A = arith.constant 0 : i32
    %cond3A_14 = arith.cmpi ne, %convert_element_type3A, %cond3A : i32
    scf.if %cond3A_14 {
      "tpu.region"() ({
        %run_scoped3A = tpu.sem_alloc : memref<!tpu.dma_semaphore, #tpu.memory_space<semaphore_mem>>
        %dma_start3A = arith.constant 0 : i32
        %dma_start3A_39 = arith.constant 0 : i32
        %dma_start3A_40 = tpu.memref_slice %arg9[%dma_start3A, %dma_start3A_39] : memref<128x128xf32, #tpu.memory_space<vmem>> -> memref<16x128xf32, #tpu.memory_space<vmem>>
        %dma_start3A_41 = arith.constant 9984 : i32
        %dma_start3A_42 = arith.constant 0 : i32
        %dma_start3A_43 = tpu.memref_slice %arg10[%dma_start3A_41, %dma_start3A_42] : memref<10008x128xf32, #tpu.memory_space<vmem_shared>> -> memref<16x128xf32, #tpu.memory_space<vmem_shared>>
        %dma_start3A_44 = arith.constant 9984 : i32
        %dma_start3A_45 = arith.constant 0 : i32
        %dma_start3A_46 = tpu.memref_slice %arg10[%dma_start3A_44, %dma_start3A_45] : memref<10008x128xf32, #tpu.memory_space<vmem_shared>> -> memref<16x128xf32, #tpu.memory_space<vmem_shared>>
        %dma_start3A_47 = arith.constant 0 : i32
        %dma_start3A_48 = arith.constant 0 : i32
        %dma_start3A_49 = tpu.memref_slice %arg9[%dma_start3A_47, %dma_start3A_48] : memref<128x128xf32, #tpu.memory_space<vmem>> -> memref<16x128xf32, #tpu.memory_space<vmem>>
        tpu.enqueue_dma source(%dma_start3A_49 : memref<16x128xf32, #tpu.memory_space<vmem>>) target(%dma_start3A_46 : memref<16x128xf32, #tpu.memory_space<vmem_shared>>) target_semaphore(%run_scoped3A : memref<!tpu.dma_semaphore, #tpu.memory_space<semaphore_mem>>)
        %dma_wait3A = arith.constant 0 : i32
        %dma_wait3A_50 = arith.constant 0 : i32
        %dma_wait3A_51 = tpu.memref_slice %arg9[%dma_wait3A, %dma_wait3A_50] : memref<128x128xf32, #tpu.memory_space<vmem>> -> memref<16x128xf32, #tpu.memory_space<vmem>>
        %dma_wait3A_52 = arith.constant 9984 : i32
        %dma_wait3A_53 = arith.constant 0 : i32
        %dma_wait3A_54 = tpu.memref_slice %arg10[%dma_wait3A_52, %dma_wait3A_53] : memref<10008x128xf32, #tpu.memory_space<vmem_shared>> -> memref<16x128xf32, #tpu.memory_space<vmem_shared>>
        %dma_wait3A_55 = arith.constant 9984 : i32
        %dma_wait3A_56 = arith.constant 0 : i32
        %dma_wait3A_57 = tpu.memref_slice %arg10[%dma_wait3A_55, %dma_wait3A_56] : memref<10008x128xf32, #tpu.memory_space<vmem_shared>> -> memref<16x128xf32, #tpu.memory_space<vmem_shared>>
        %dma_wait3A_58 = arith.constant 0 : i32
        %dma_wait3A_59 = arith.constant 0 : i32
        %dma_wait3A_60 = tpu.memref_slice %arg9[%dma_wait3A_58, %dma_wait3A_59] : memref<128x128xf32, #tpu.memory_space<vmem>> -> memref<16x128xf32, #tpu.memory_space<vmem>>
        tpu.wait_dma2 semaphore(%run_scoped3A : memref<!tpu.dma_semaphore, #tpu.memory_space<semaphore_mem>>) src(%dma_wait3A_60 : memref<16x128xf32, #tpu.memory_space<vmem>>) dst(%dma_wait3A_57 : memref<16x128xf32, #tpu.memory_space<vmem_shared>>)
        tpu.yield
      }) : () -> ()
    } else {
    }
    %barrier3A = arith.constant 0 : index
    tpu.barrier barrier_id(%barrier3A)
    %mul3A_15 = arith.constant 10112 : i32
    %mul3A_16 = arith.muli %add3A, %mul3A_15 : i32
    %scan3A = arith.constant 0 : i32
    %scan3A_17 = arith.constant 0 : i32
    %scan3A_18 = arith.constant 79 : i32
    %scan3A_19 = arith.addi %scan3A_17, %scan3A_18 : i32
    %scan3A_20 = arith.constant 1 : i32
    %scan3A_21 = scf.for %scan3A_39 = %scan3A_17 to %scan3A_19 step %scan3A_20 iter_args(%scan3A_40 = %scan3A) -> (i32)  : i32 {
      %mul3A_41 = arith.constant 128 : i32
      %mul3A_42 = arith.muli %scan3A_39, %mul3A_41 : i32
      %add3A_43 = arith.addi %mul3A_16, %mul3A_42 : i32
      %multiple_of3A_44 = tpu.assume_multiple %add3A_43, 128 : i32
      "tpu.region"() ({
        %run_scoped3A = tpu.sem_alloc : memref<!tpu.dma_semaphore, #tpu.memory_space<semaphore_mem>>
        %dma_start3A_50 = tpu.memref_slice %arg2[%multiple_of3A_44] : memref<323584xi32, #tpu.memory_space<hbm>> -> memref<128xi32, #tpu.memory_space<hbm>>
        %dma_start3A_51 = tpu.memref_slice %arg2[%multiple_of3A_44] : memref<323584xi32, #tpu.memory_space<hbm>> -> memref<128xi32, #tpu.memory_space<hbm>>
        tpu.enqueue_dma source(%dma_start3A_51 : memref<128xi32, #tpu.memory_space<hbm>>) target(%arg7 : memref<128xi32, #tpu.memory_space<vmem>>) target_semaphore(%run_scoped3A : memref<!tpu.dma_semaphore, #tpu.memory_space<semaphore_mem>>)
        %dma_wait3A_52 = tpu.memref_slice %arg2[%multiple_of3A_44] : memref<323584xi32, #tpu.memory_space<hbm>> -> memref<128xi32, #tpu.memory_space<hbm>>
        %dma_wait3A_53 = tpu.memref_slice %arg2[%multiple_of3A_44] : memref<323584xi32, #tpu.memory_space<hbm>> -> memref<128xi32, #tpu.memory_space<hbm>>
        tpu.wait_dma2 semaphore(%run_scoped3A : memref<!tpu.dma_semaphore, #tpu.memory_space<semaphore_mem>>) src(%dma_wait3A_53 : memref<128xi32, #tpu.memory_space<hbm>>) dst(%arg7 : memref<128xi32, #tpu.memory_space<vmem>>)
        tpu.yield
      }) : () -> ()
      "tpu.region"() ({
        %run_scoped3A = tpu.sem_alloc : memref<!tpu.dma_semaphore, #tpu.memory_space<semaphore_mem>>
        %dma_start3A_50 = tpu.memref_slice %arg3[%multiple_of3A_44] : memref<323584xi32, #tpu.memory_space<hbm>> -> memref<128xi32, #tpu.memory_space<hbm>>
        %dma_start3A_51 = tpu.memref_slice %arg3[%multiple_of3A_44] : memref<323584xi32, #tpu.memory_space<hbm>> -> memref<128xi32, #tpu.memory_space<hbm>>
        tpu.enqueue_dma source(%dma_start3A_51 : memref<128xi32, #tpu.memory_space<hbm>>) target(%arg8 : memref<128xi32, #tpu.memory_space<vmem>>) target_semaphore(%run_scoped3A : memref<!tpu.dma_semaphore, #tpu.memory_space<semaphore_mem>>)
        %dma_wait3A_52 = tpu.memref_slice %arg3[%multiple_of3A_44] : memref<323584xi32, #tpu.memory_space<hbm>> -> memref<128xi32, #tpu.memory_space<hbm>>
        %dma_wait3A_53 = tpu.memref_slice %arg3[%multiple_of3A_44] : memref<323584xi32, #tpu.memory_space<hbm>> -> memref<128xi32, #tpu.memory_space<hbm>>
        tpu.wait_dma2 semaphore(%run_scoped3A : memref<!tpu.dma_semaphore, #tpu.memory_space<semaphore_mem>>) src(%dma_wait3A_53 : memref<128xi32, #tpu.memory_space<hbm>>) dst(%arg8 : memref<128xi32, #tpu.memory_space<vmem>>)
        tpu.yield
      }) : () -> ()
      %dma_start3A = arith.constant 0 : i32
      %dma_start3A_45 = arith.constant 0 : i32
      %dma_start3A_46 = tpu.memref_slice %arg4[%dma_start3A, %dma_start3A_45] : memref<10000x128xf32, #tpu.memory_space<hbm>> -> memref<10000x128xf32, #tpu.memory_space<hbm>>
      tpu.enqueue_indirect_dma source(%dma_start3A_46 : memref<10000x128xf32, #tpu.memory_space<hbm>>) target(%arg9 : memref<128x128xf32, #tpu.memory_space<vmem>>) offsets(%arg7 : memref<128xi32, #tpu.memory_space<vmem>>) semaphore(%arg11 : memref<!tpu.dma_semaphore, #tpu.memory_space<semaphore_mem>>)
      %dma_wait3A = arith.constant 0 : i32
      %dma_wait3A_47 = arith.constant 0 : i32
      %dma_wait3A_48 = tpu.memref_slice %arg4[%dma_wait3A, %dma_wait3A_47] : memref<10000x128xf32, #tpu.memory_space<hbm>> -> memref<10000x128xf32, #tpu.memory_space<hbm>>
      tpu.wait_indirect_dma semaphore(%arg11 : memref<!tpu.dma_semaphore, #tpu.memory_space<semaphore_mem>>) src(%dma_wait3A_48 : memref<10000x128xf32, #tpu.memory_space<hbm>>) dst(%arg9 : memref<128x128xf32, #tpu.memory_space<vmem>>)
      "tpu.region"() ({
        %run_scoped3A = tpu.sem_alloc : memref<!tpu.dma_semaphore, #tpu.memory_space<semaphore_mem>>
        %dma_start3A_50 = arith.constant 0 : i32
        %dma_start3A_51 = arith.constant 0 : i32
        %dma_start3A_52 = tpu.memref_slice %arg10[%dma_start3A_50, %dma_start3A_51] : memref<10008x128xf32, #tpu.memory_space<vmem_shared>> -> memref<10008x128xf32, #tpu.memory_space<vmem_shared>>
        tpu.enqueue_indirect_dma source(%arg9 : memref<128x128xf32, #tpu.memory_space<vmem>>) target(%dma_start3A_52 : memref<10008x128xf32, #tpu.memory_space<vmem_shared>>) offsets(%arg8 : memref<128xi32, #tpu.memory_space<vmem>>) semaphore(%run_scoped3A : memref<!tpu.dma_semaphore, #tpu.memory_space<semaphore_mem>>) {add = true}
        %dma_wait3A_53 = arith.constant 0 : i32
        %dma_wait3A_54 = arith.constant 0 : i32
        %dma_wait3A_55 = tpu.memref_slice %arg10[%dma_wait3A_53, %dma_wait3A_54] : memref<10008x128xf32, #tpu.memory_space<vmem_shared>> -> memref<10008x128xf32, #tpu.memory_space<vmem_shared>>
        tpu.wait_indirect_dma semaphore(%run_scoped3A : memref<!tpu.dma_semaphore, #tpu.memory_space<semaphore_mem>>) src(%arg9 : memref<128x128xf32, #tpu.memory_space<vmem>>) dst(%dma_wait3A_55 : memref<10008x128xf32, #tpu.memory_space<vmem_shared>>)
        tpu.yield
      }) : () -> ()
      %scan3A_49 = arith.constant 0 : i32
      scf.yield %scan3A_49 : i32
    }
    %scan3A_22 = arith.constant 79 : i32
    %barrier3A_23 = arith.constant 0 : index
    tpu.barrier barrier_id(%barrier3A_23)
    %mul3A_24 = arith.constant 624 : i32
    %mul3A_25 = arith.muli %arg1, %mul3A_24 : i32
    %mul3A_26 = arith.constant 10000 : i32
    %mul3A_27 = arith.muli %arg0, %mul3A_26 : i32
    %add3A_28 = arith.addi %mul3A_27, %mul3A_25 : i32
    %multiple_of3A = tpu.assume_multiple %add3A_28, 8 : i32
    "tpu.region"() ({
      %run_scoped3A = tpu.sem_alloc : memref<!tpu.dma_semaphore, #tpu.memory_space<semaphore_mem>>
      %dma_start3A = arith.constant 0 : i32
      %dma_start3A_39 = tpu.memref_slice %arg6[%multiple_of3A, %dma_start3A] : memref<20000x128xf32, #tpu.memory_space<hbm>> -> memref<624x128xf32, #tpu.memory_space<hbm>>
      %dma_start3A_40 = arith.constant 0 : i32
      %dma_start3A_41 = tpu.memref_slice %arg10[%mul3A_25, %dma_start3A_40] : memref<10008x128xf32, #tpu.memory_space<vmem_shared>> -> memref<624x128xf32, #tpu.memory_space<vmem_shared>>
      tpu.enqueue_dma source(%dma_start3A_41 : memref<624x128xf32, #tpu.memory_space<vmem_shared>>) target(%dma_start3A_39 : memref<624x128xf32, #tpu.memory_space<hbm>>) target_semaphore(%run_scoped3A : memref<!tpu.dma_semaphore, #tpu.memory_space<semaphore_mem>>)
      %dma_wait3A = arith.constant 0 : i32
      %dma_wait3A_42 = tpu.memref_slice %arg6[%multiple_of3A, %dma_wait3A] : memref<20000x128xf32, #tpu.memory_space<hbm>> -> memref<624x128xf32, #tpu.memory_space<hbm>>
      %dma_wait3A_43 = arith.constant 0 : i32
      %dma_wait3A_44 = tpu.memref_slice %arg10[%mul3A_25, %dma_wait3A_43] : memref<10008x128xf32, #tpu.memory_space<vmem_shared>> -> memref<624x128xf32, #tpu.memory_space<vmem_shared>>
      tpu.wait_dma2 semaphore(%run_scoped3A : memref<!tpu.dma_semaphore, #tpu.memory_space<semaphore_mem>>) src(%dma_wait3A_44 : memref<624x128xf32, #tpu.memory_space<vmem_shared>>) dst(%dma_wait3A_42 : memref<624x128xf32, #tpu.memory_space<hbm>>)
      tpu.yield
    }) : () -> ()
    %mul3A_29 = arith.constant 10000 : i32
    %mul3A_30 = arith.muli %arg0, %mul3A_29 : i32
    %add3A_31 = arith.constant 9984 : i32
    %add3A_32 = arith.addi %mul3A_30, %add3A_31 : i32
    %multiple_of3A_33 = tpu.assume_multiple %add3A_32, 8 : i32
    %eq3A_34 = arith.constant 15 : i32
    %eq3A_35 = arith.cmpi eq, %arg1, %eq3A_34 : i32
    %convert_element_type3A_36 = arith.extui %eq3A_35 : i1 to i32
    %cond3A_37 = arith.constant 0 : i32
    %cond3A_38 = arith.cmpi ne, %convert_element_type3A_36, %cond3A_37 : i32
    scf.if %cond3A_38 {
      "tpu.region"() ({
        %run_scoped3A = tpu.sem_alloc : memref<!tpu.dma_semaphore, #tpu.memory_space<semaphore_mem>>
        %dma_start3A = arith.constant 0 : i32
        %dma_start3A_39 = tpu.memref_slice %arg6[%multiple_of3A_33, %dma_start3A] : memref<20000x128xf32, #tpu.memory_space<hbm>> -> memref<16x128xf32, #tpu.memory_space<hbm>>
        %dma_start3A_40 = arith.constant 9984 : i32
        %dma_start3A_41 = arith.constant 0 : i32
        %dma_start3A_42 = tpu.memref_slice %arg10[%dma_start3A_40, %dma_start3A_41] : memref<10008x128xf32, #tpu.memory_space<vmem_shared>> -> memref<16x128xf32, #tpu.memory_space<vmem_shared>>
        tpu.enqueue_dma source(%dma_start3A_42 : memref<16x128xf32, #tpu.memory_space<vmem_shared>>) target(%dma_start3A_39 : memref<16x128xf32, #tpu.memory_space<hbm>>) target_semaphore(%run_scoped3A : memref<!tpu.dma_semaphore, #tpu.memory_space<semaphore_mem>>)
        %dma_wait3A = arith.constant 0 : i32
        %dma_wait3A_43 = tpu.memref_slice %arg6[%multiple_of3A_33, %dma_wait3A] : memref<20000x128xf32, #tpu.memory_space<hbm>> -> memref<16x128xf32, #tpu.memory_space<hbm>>
        %dma_wait3A_44 = arith.constant 9984 : i32
        %dma_wait3A_45 = arith.constant 0 : i32
        %dma_wait3A_46 = tpu.memref_slice %arg10[%dma_wait3A_44, %dma_wait3A_45] : memref<10008x128xf32, #tpu.memory_space<vmem_shared>> -> memref<16x128xf32, #tpu.memory_space<vmem_shared>>
        tpu.wait_dma2 semaphore(%run_scoped3A : memref<!tpu.dma_semaphore, #tpu.memory_space<semaphore_mem>>) src(%dma_wait3A_46 : memref<16x128xf32, #tpu.memory_space<vmem_shared>>) dst(%dma_wait3A_43 : memref<16x128xf32, #tpu.memory_space<hbm>>)
        tpu.yield
      }) : () -> ()
    } else {
    }
    return
  }
}

#map = affine_map<(d0, d1) -> (0)>
#map1 = affine_map<(d0, d1) -> (0, 0)>
module attributes {stable_mosaic.version = 14 : i64} {
  func.func @_counts_body(%arg0: i32, %arg1: i32, %arg2: memref<323584xi32, #tpu.memory_space<hbm>>, %arg3: memref<128x128xf32, #tpu.memory_space<hbm>>, %arg4: memref<128x128xf32, #tpu.memory_space<hbm>>, %arg5: memref<20000x128xf32, #tpu.memory_space<hbm>>, %arg6: memref<128xi32, #tpu.memory_space<vmem>>, %arg7: memref<128x128xf32, #tpu.memory_space<vmem>>, %arg8: memref<128x128xf32, #tpu.memory_space<vmem>>, %arg9: memref<10008x128xf32, #tpu.memory_space<vmem_shared>>) attributes {dimension_semantics = [#tpu.dimension_semantics<core_parallel>, #tpu.dimension_semantics<subcore_parallel>], iteration_bounds = array<i64: 2, 16>, scalar_prefetch = 0 : i64, scratch_operands = 4 : i64, tpu.core_type = #tpu.core_type<sc_vector_subcore>, window_params = [{transform_indices = #map}, {transform_indices = #map1}, {transform_indices = #map1}, {transform_indices = #map1}]} {
    %mul3A = arith.constant 16 : i32
    %mul3A_0 = arith.muli %arg0, %mul3A : i32
    %add3A = arith.addi %mul3A_0, %arg1 : i32
    "tpu.region"() ({
      %run_scoped3A = tpu.sem_alloc : memref<!tpu.dma_semaphore, #tpu.memory_space<semaphore_mem>>
      tpu.enqueue_dma source(%arg3 : memref<128x128xf32, #tpu.memory_space<hbm>>) target(%arg7 : memref<128x128xf32, #tpu.memory_space<vmem>>) target_semaphore(%run_scoped3A : memref<!tpu.dma_semaphore, #tpu.memory_space<semaphore_mem>>)
      tpu.wait_dma2 semaphore(%run_scoped3A : memref<!tpu.dma_semaphore, #tpu.memory_space<semaphore_mem>>) src(%arg3 : memref<128x128xf32, #tpu.memory_space<hbm>>) dst(%arg7 : memref<128x128xf32, #tpu.memory_space<vmem>>)
      tpu.yield
    }) : () -> ()
    "tpu.region"() ({
      %run_scoped3A = tpu.sem_alloc : memref<!tpu.dma_semaphore, #tpu.memory_space<semaphore_mem>>
      tpu.enqueue_dma source(%arg4 : memref<128x128xf32, #tpu.memory_space<hbm>>) target(%arg8 : memref<128x128xf32, #tpu.memory_space<vmem>>) target_semaphore(%run_scoped3A : memref<!tpu.dma_semaphore, #tpu.memory_space<semaphore_mem>>)
      tpu.wait_dma2 semaphore(%run_scoped3A : memref<!tpu.dma_semaphore, #tpu.memory_space<semaphore_mem>>) src(%arg4 : memref<128x128xf32, #tpu.memory_space<hbm>>) dst(%arg8 : memref<128x128xf32, #tpu.memory_space<vmem>>)
      tpu.yield
    }) : () -> ()
    %mul3A_1 = arith.constant 624 : i32
    %mul3A_2 = arith.muli %arg1, %mul3A_1 : i32
    %add3A_3 = arith.constant 0 : i32
    %add3A_4 = arith.addi %mul3A_2, %add3A_3 : i32
    "tpu.region"() ({
      %run_scoped3A = tpu.sem_alloc : memref<!tpu.dma_semaphore, #tpu.memory_space<semaphore_mem>>
      %dma_start3A = arith.constant 0 : i32
      %dma_start3A_39 = tpu.memref_slice %arg9[%add3A_4, %dma_start3A] : memref<10008x128xf32, #tpu.memory_space<vmem_shared>> -> memref<128x128xf32, #tpu.memory_space<vmem_shared>>
      %dma_start3A_40 = arith.constant 0 : i32
      %dma_start3A_41 = tpu.memref_slice %arg9[%add3A_4, %dma_start3A_40] : memref<10008x128xf32, #tpu.memory_space<vmem_shared>> -> memref<128x128xf32, #tpu.memory_space<vmem_shared>>
      tpu.enqueue_dma source(%arg7 : memref<128x128xf32, #tpu.memory_space<vmem>>) target(%dma_start3A_41 : memref<128x128xf32, #tpu.memory_space<vmem_shared>>) target_semaphore(%run_scoped3A : memref<!tpu.dma_semaphore, #tpu.memory_space<semaphore_mem>>)
      %dma_wait3A = arith.constant 0 : i32
      %dma_wait3A_42 = tpu.memref_slice %arg9[%add3A_4, %dma_wait3A] : memref<10008x128xf32, #tpu.memory_space<vmem_shared>> -> memref<128x128xf32, #tpu.memory_space<vmem_shared>>
      %dma_wait3A_43 = arith.constant 0 : i32
      %dma_wait3A_44 = tpu.memref_slice %arg9[%add3A_4, %dma_wait3A_43] : memref<10008x128xf32, #tpu.memory_space<vmem_shared>> -> memref<128x128xf32, #tpu.memory_space<vmem_shared>>
      tpu.wait_dma2 semaphore(%run_scoped3A : memref<!tpu.dma_semaphore, #tpu.memory_space<semaphore_mem>>) src(%arg7 : memref<128x128xf32, #tpu.memory_space<vmem>>) dst(%dma_wait3A_44 : memref<128x128xf32, #tpu.memory_space<vmem_shared>>)
      tpu.yield
    }) : () -> ()
    %add3A_5 = arith.constant 128 : i32
    %add3A_6 = arith.addi %mul3A_2, %add3A_5 : i32
    "tpu.region"() ({
      %run_scoped3A = tpu.sem_alloc : memref<!tpu.dma_semaphore, #tpu.memory_space<semaphore_mem>>
      %dma_start3A = arith.constant 0 : i32
      %dma_start3A_39 = tpu.memref_slice %arg9[%add3A_6, %dma_start3A] : memref<10008x128xf32, #tpu.memory_space<vmem_shared>> -> memref<128x128xf32, #tpu.memory_space<vmem_shared>>
      %dma_start3A_40 = arith.constant 0 : i32
      %dma_start3A_41 = tpu.memref_slice %arg9[%add3A_6, %dma_start3A_40] : memref<10008x128xf32, #tpu.memory_space<vmem_shared>> -> memref<128x128xf32, #tpu.memory_space<vmem_shared>>
      tpu.enqueue_dma source(%arg7 : memref<128x128xf32, #tpu.memory_space<vmem>>) target(%dma_start3A_41 : memref<128x128xf32, #tpu.memory_space<vmem_shared>>) target_semaphore(%run_scoped3A : memref<!tpu.dma_semaphore, #tpu.memory_space<semaphore_mem>>)
      %dma_wait3A = arith.constant 0 : i32
      %dma_wait3A_42 = tpu.memref_slice %arg9[%add3A_6, %dma_wait3A] : memref<10008x128xf32, #tpu.memory_space<vmem_shared>> -> memref<128x128xf32, #tpu.memory_space<vmem_shared>>
      %dma_wait3A_43 = arith.constant 0 : i32
      %dma_wait3A_44 = tpu.memref_slice %arg9[%add3A_6, %dma_wait3A_43] : memref<10008x128xf32, #tpu.memory_space<vmem_shared>> -> memref<128x128xf32, #tpu.memory_space<vmem_shared>>
      tpu.wait_dma2 semaphore(%run_scoped3A : memref<!tpu.dma_semaphore, #tpu.memory_space<semaphore_mem>>) src(%arg7 : memref<128x128xf32, #tpu.memory_space<vmem>>) dst(%dma_wait3A_44 : memref<128x128xf32, #tpu.memory_space<vmem_shared>>)
      tpu.yield
    }) : () -> ()
    %add3A_7 = arith.constant 256 : i32
    %add3A_8 = arith.addi %mul3A_2, %add3A_7 : i32
    "tpu.region"() ({
      %run_scoped3A = tpu.sem_alloc : memref<!tpu.dma_semaphore, #tpu.memory_space<semaphore_mem>>
      %dma_start3A = arith.constant 0 : i32
      %dma_start3A_39 = tpu.memref_slice %arg9[%add3A_8, %dma_start3A] : memref<10008x128xf32, #tpu.memory_space<vmem_shared>> -> memref<128x128xf32, #tpu.memory_space<vmem_shared>>
      %dma_start3A_40 = arith.constant 0 : i32
      %dma_start3A_41 = tpu.memref_slice %arg9[%add3A_8, %dma_start3A_40] : memref<10008x128xf32, #tpu.memory_space<vmem_shared>> -> memref<128x128xf32, #tpu.memory_space<vmem_shared>>
      tpu.enqueue_dma source(%arg7 : memref<128x128xf32, #tpu.memory_space<vmem>>) target(%dma_start3A_41 : memref<128x128xf32, #tpu.memory_space<vmem_shared>>) target_semaphore(%run_scoped3A : memref<!tpu.dma_semaphore, #tpu.memory_space<semaphore_mem>>)
      %dma_wait3A = arith.constant 0 : i32
      %dma_wait3A_42 = tpu.memref_slice %arg9[%add3A_8, %dma_wait3A] : memref<10008x128xf32, #tpu.memory_space<vmem_shared>> -> memref<128x128xf32, #tpu.memory_space<vmem_shared>>
      %dma_wait3A_43 = arith.constant 0 : i32
      %dma_wait3A_44 = tpu.memref_slice %arg9[%add3A_8, %dma_wait3A_43] : memref<10008x128xf32, #tpu.memory_space<vmem_shared>> -> memref<128x128xf32, #tpu.memory_space<vmem_shared>>
      tpu.wait_dma2 semaphore(%run_scoped3A : memref<!tpu.dma_semaphore, #tpu.memory_space<semaphore_mem>>) src(%arg7 : memref<128x128xf32, #tpu.memory_space<vmem>>) dst(%dma_wait3A_44 : memref<128x128xf32, #tpu.memory_space<vmem_shared>>)
      tpu.yield
    }) : () -> ()
    %add3A_9 = arith.constant 384 : i32
    %add3A_10 = arith.addi %mul3A_2, %add3A_9 : i32
    "tpu.region"() ({
      %run_scoped3A = tpu.sem_alloc : memref<!tpu.dma_semaphore, #tpu.memory_space<semaphore_mem>>
      %dma_start3A = arith.constant 0 : i32
      %dma_start3A_39 = tpu.memref_slice %arg9[%add3A_10, %dma_start3A] : memref<10008x128xf32, #tpu.memory_space<vmem_shared>> -> memref<128x128xf32, #tpu.memory_space<vmem_shared>>
      %dma_start3A_40 = arith.constant 0 : i32
      %dma_start3A_41 = tpu.memref_slice %arg9[%add3A_10, %dma_start3A_40] : memref<10008x128xf32, #tpu.memory_space<vmem_shared>> -> memref<128x128xf32, #tpu.memory_space<vmem_shared>>
      tpu.enqueue_dma source(%arg7 : memref<128x128xf32, #tpu.memory_space<vmem>>) target(%dma_start3A_41 : memref<128x128xf32, #tpu.memory_space<vmem_shared>>) target_semaphore(%run_scoped3A : memref<!tpu.dma_semaphore, #tpu.memory_space<semaphore_mem>>)
      %dma_wait3A = arith.constant 0 : i32
      %dma_wait3A_42 = tpu.memref_slice %arg9[%add3A_10, %dma_wait3A] : memref<10008x128xf32, #tpu.memory_space<vmem_shared>> -> memref<128x128xf32, #tpu.memory_space<vmem_shared>>
      %dma_wait3A_43 = arith.constant 0 : i32
      %dma_wait3A_44 = tpu.memref_slice %arg9[%add3A_10, %dma_wait3A_43] : memref<10008x128xf32, #tpu.memory_space<vmem_shared>> -> memref<128x128xf32, #tpu.memory_space<vmem_shared>>
      tpu.wait_dma2 semaphore(%run_scoped3A : memref<!tpu.dma_semaphore, #tpu.memory_space<semaphore_mem>>) src(%arg7 : memref<128x128xf32, #tpu.memory_space<vmem>>) dst(%dma_wait3A_44 : memref<128x128xf32, #tpu.memory_space<vmem_shared>>)
      tpu.yield
    }) : () -> ()
    %add3A_11 = arith.constant 512 : i32
    %add3A_12 = arith.addi %mul3A_2, %add3A_11 : i32
    "tpu.region"() ({
      %run_scoped3A = tpu.sem_alloc : memref<!tpu.dma_semaphore, #tpu.memory_space<semaphore_mem>>
      %dma_start3A = arith.constant 0 : i32
      %dma_start3A_39 = arith.constant 0 : i32
      %dma_start3A_40 = tpu.memref_slice %arg7[%dma_start3A, %dma_start3A_39] : memref<128x128xf32, #tpu.memory_space<vmem>> -> memref<112x128xf32, #tpu.memory_space<vmem>>
      %dma_start3A_41 = arith.constant 0 : i32
      %dma_start3A_42 = tpu.memref_slice %arg9[%add3A_12, %dma_start3A_41] : memref<10008x128xf32, #tpu.memory_space<vmem_shared>> -> memref<112x128xf32, #tpu.memory_space<vmem_shared>>
      %dma_start3A_43 = arith.constant 0 : i32
      %dma_start3A_44 = tpu.memref_slice %arg9[%add3A_12, %dma_start3A_43] : memref<10008x128xf32, #tpu.memory_space<vmem_shared>> -> memref<112x128xf32, #tpu.memory_space<vmem_shared>>
      %dma_start3A_45 = arith.constant 0 : i32
      %dma_start3A_46 = arith.constant 0 : i32
      %dma_start3A_47 = tpu.memref_slice %arg7[%dma_start3A_45, %dma_start3A_46] : memref<128x128xf32, #tpu.memory_space<vmem>> -> memref<112x128xf32, #tpu.memory_space<vmem>>
      tpu.enqueue_dma source(%dma_start3A_47 : memref<112x128xf32, #tpu.memory_space<vmem>>) target(%dma_start3A_44 : memref<112x128xf32, #tpu.memory_space<vmem_shared>>) target_semaphore(%run_scoped3A : memref<!tpu.dma_semaphore, #tpu.memory_space<semaphore_mem>>)
      %dma_wait3A = arith.constant 0 : i32
      %dma_wait3A_48 = arith.constant 0 : i32
      %dma_wait3A_49 = tpu.memref_slice %arg7[%dma_wait3A, %dma_wait3A_48] : memref<128x128xf32, #tpu.memory_space<vmem>> -> memref<112x128xf32, #tpu.memory_space<vmem>>
      %dma_wait3A_50 = arith.constant 0 : i32
      %dma_wait3A_51 = tpu.memref_slice %arg9[%add3A_12, %dma_wait3A_50] : memref<10008x128xf32, #tpu.memory_space<vmem_shared>> -> memref<112x128xf32, #tpu.memory_space<vmem_shared>>
      %dma_wait3A_52 = arith.constant 0 : i32
      %dma_wait3A_53 = tpu.memref_slice %arg9[%add3A_12, %dma_wait3A_52] : memref<10008x128xf32, #tpu.memory_space<vmem_shared>> -> memref<112x128xf32, #tpu.memory_space<vmem_shared>>
      %dma_wait3A_54 = arith.constant 0 : i32
      %dma_wait3A_55 = arith.constant 0 : i32
      %dma_wait3A_56 = tpu.memref_slice %arg7[%dma_wait3A_54, %dma_wait3A_55] : memref<128x128xf32, #tpu.memory_space<vmem>> -> memref<112x128xf32, #tpu.memory_space<vmem>>
      tpu.wait_dma2 semaphore(%run_scoped3A : memref<!tpu.dma_semaphore, #tpu.memory_space<semaphore_mem>>) src(%dma_wait3A_56 : memref<112x128xf32, #tpu.memory_space<vmem>>) dst(%dma_wait3A_53 : memref<112x128xf32, #tpu.memory_space<vmem_shared>>)
      tpu.yield
    }) : () -> ()
    %eq3A = arith.constant 15 : i32
    %eq3A_13 = arith.cmpi eq, %arg1, %eq3A : i32
    %convert_element_type3A = arith.extui %eq3A_13 : i1 to i32
    %cond3A = arith.constant 0 : i32
    %cond3A_14 = arith.cmpi ne, %convert_element_type3A, %cond3A : i32
    scf.if %cond3A_14 {
      "tpu.region"() ({
        %run_scoped3A = tpu.sem_alloc : memref<!tpu.dma_semaphore, #tpu.memory_space<semaphore_mem>>
        %dma_start3A = arith.constant 0 : i32
        %dma_start3A_39 = arith.constant 0 : i32
        %dma_start3A_40 = tpu.memref_slice %arg7[%dma_start3A, %dma_start3A_39] : memref<128x128xf32, #tpu.memory_space<vmem>> -> memref<16x128xf32, #tpu.memory_space<vmem>>
        %dma_start3A_41 = arith.constant 9984 : i32
        %dma_start3A_42 = arith.constant 0 : i32
        %dma_start3A_43 = tpu.memref_slice %arg9[%dma_start3A_41, %dma_start3A_42] : memref<10008x128xf32, #tpu.memory_space<vmem_shared>> -> memref<16x128xf32, #tpu.memory_space<vmem_shared>>
        %dma_start3A_44 = arith.constant 9984 : i32
        %dma_start3A_45 = arith.constant 0 : i32
        %dma_start3A_46 = tpu.memref_slice %arg9[%dma_start3A_44, %dma_start3A_45] : memref<10008x128xf32, #tpu.memory_space<vmem_shared>> -> memref<16x128xf32, #tpu.memory_space<vmem_shared>>
        %dma_start3A_47 = arith.constant 0 : i32
        %dma_start3A_48 = arith.constant 0 : i32
        %dma_start3A_49 = tpu.memref_slice %arg7[%dma_start3A_47, %dma_start3A_48] : memref<128x128xf32, #tpu.memory_space<vmem>> -> memref<16x128xf32, #tpu.memory_space<vmem>>
        tpu.enqueue_dma source(%dma_start3A_49 : memref<16x128xf32, #tpu.memory_space<vmem>>) target(%dma_start3A_46 : memref<16x128xf32, #tpu.memory_space<vmem_shared>>) target_semaphore(%run_scoped3A : memref<!tpu.dma_semaphore, #tpu.memory_space<semaphore_mem>>)
        %dma_wait3A = arith.constant 0 : i32
        %dma_wait3A_50 = arith.constant 0 : i32
        %dma_wait3A_51 = tpu.memref_slice %arg7[%dma_wait3A, %dma_wait3A_50] : memref<128x128xf32, #tpu.memory_space<vmem>> -> memref<16x128xf32, #tpu.memory_space<vmem>>
        %dma_wait3A_52 = arith.constant 9984 : i32
        %dma_wait3A_53 = arith.constant 0 : i32
        %dma_wait3A_54 = tpu.memref_slice %arg9[%dma_wait3A_52, %dma_wait3A_53] : memref<10008x128xf32, #tpu.memory_space<vmem_shared>> -> memref<16x128xf32, #tpu.memory_space<vmem_shared>>
        %dma_wait3A_55 = arith.constant 9984 : i32
        %dma_wait3A_56 = arith.constant 0 : i32
        %dma_wait3A_57 = tpu.memref_slice %arg9[%dma_wait3A_55, %dma_wait3A_56] : memref<10008x128xf32, #tpu.memory_space<vmem_shared>> -> memref<16x128xf32, #tpu.memory_space<vmem_shared>>
        %dma_wait3A_58 = arith.constant 0 : i32
        %dma_wait3A_59 = arith.constant 0 : i32
        %dma_wait3A_60 = tpu.memref_slice %arg7[%dma_wait3A_58, %dma_wait3A_59] : memref<128x128xf32, #tpu.memory_space<vmem>> -> memref<16x128xf32, #tpu.memory_space<vmem>>
        tpu.wait_dma2 semaphore(%run_scoped3A : memref<!tpu.dma_semaphore, #tpu.memory_space<semaphore_mem>>) src(%dma_wait3A_60 : memref<16x128xf32, #tpu.memory_space<vmem>>) dst(%dma_wait3A_57 : memref<16x128xf32, #tpu.memory_space<vmem_shared>>)
        tpu.yield
      }) : () -> ()
    } else {
    }
    %barrier3A = arith.constant 0 : index
    tpu.barrier barrier_id(%barrier3A)
    %mul3A_15 = arith.constant 10112 : i32
    %mul3A_16 = arith.muli %add3A, %mul3A_15 : i32
    %scan3A = arith.constant 0 : i32
    %scan3A_17 = arith.constant 0 : i32
    %scan3A_18 = arith.constant 79 : i32
    %scan3A_19 = arith.addi %scan3A_17, %scan3A_18 : i32
    %scan3A_20 = arith.constant 1 : i32
    %scan3A_21 = scf.for %scan3A_39 = %scan3A_17 to %scan3A_19 step %scan3A_20 iter_args(%scan3A_40 = %scan3A) -> (i32)  : i32 {
      %mul3A_41 = arith.constant 128 : i32
      %mul3A_42 = arith.muli %scan3A_39, %mul3A_41 : i32
      %add3A_43 = arith.addi %mul3A_16, %mul3A_42 : i32
      %multiple_of3A_44 = tpu.assume_multiple %add3A_43, 128 : i32
      "tpu.region"() ({
        %run_scoped3A = tpu.sem_alloc : memref<!tpu.dma_semaphore, #tpu.memory_space<semaphore_mem>>
        %dma_start3A = tpu.memref_slice %arg2[%multiple_of3A_44] : memref<323584xi32, #tpu.memory_space<hbm>> -> memref<128xi32, #tpu.memory_space<hbm>>
        %dma_start3A_46 = tpu.memref_slice %arg2[%multiple_of3A_44] : memref<323584xi32, #tpu.memory_space<hbm>> -> memref<128xi32, #tpu.memory_space<hbm>>
        tpu.enqueue_dma source(%dma_start3A_46 : memref<128xi32, #tpu.memory_space<hbm>>) target(%arg6 : memref<128xi32, #tpu.memory_space<vmem>>) target_semaphore(%run_scoped3A : memref<!tpu.dma_semaphore, #tpu.memory_space<semaphore_mem>>)
        %dma_wait3A = tpu.memref_slice %arg2[%multiple_of3A_44] : memref<323584xi32, #tpu.memory_space<hbm>> -> memref<128xi32, #tpu.memory_space<hbm>>
        %dma_wait3A_47 = tpu.memref_slice %arg2[%multiple_of3A_44] : memref<323584xi32, #tpu.memory_space<hbm>> -> memref<128xi32, #tpu.memory_space<hbm>>
        tpu.wait_dma2 semaphore(%run_scoped3A : memref<!tpu.dma_semaphore, #tpu.memory_space<semaphore_mem>>) src(%dma_wait3A_47 : memref<128xi32, #tpu.memory_space<hbm>>) dst(%arg6 : memref<128xi32, #tpu.memory_space<vmem>>)
        tpu.yield
      }) : () -> ()
      "tpu.region"() ({
        %run_scoped3A = tpu.sem_alloc : memref<!tpu.dma_semaphore, #tpu.memory_space<semaphore_mem>>
        %dma_start3A = arith.constant 0 : i32
        %dma_start3A_46 = arith.constant 0 : i32
        %dma_start3A_47 = tpu.memref_slice %arg9[%dma_start3A, %dma_start3A_46] : memref<10008x128xf32, #tpu.memory_space<vmem_shared>> -> memref<10008x128xf32, #tpu.memory_space<vmem_shared>>
        tpu.enqueue_indirect_dma source(%arg8 : memref<128x128xf32, #tpu.memory_space<vmem>>) target(%dma_start3A_47 : memref<10008x128xf32, #tpu.memory_space<vmem_shared>>) offsets(%arg6 : memref<128xi32, #tpu.memory_space<vmem>>) semaphore(%run_scoped3A : memref<!tpu.dma_semaphore, #tpu.memory_space<semaphore_mem>>) {add = true}
        %dma_wait3A = arith.constant 0 : i32
        %dma_wait3A_48 = arith.constant 0 : i32
        %dma_wait3A_49 = tpu.memref_slice %arg9[%dma_wait3A, %dma_wait3A_48] : memref<10008x128xf32, #tpu.memory_space<vmem_shared>> -> memref<10008x128xf32, #tpu.memory_space<vmem_shared>>
        tpu.wait_indirect_dma semaphore(%run_scoped3A : memref<!tpu.dma_semaphore, #tpu.memory_space<semaphore_mem>>) src(%arg8 : memref<128x128xf32, #tpu.memory_space<vmem>>) dst(%dma_wait3A_49 : memref<10008x128xf32, #tpu.memory_space<vmem_shared>>)
        tpu.yield
      }) : () -> ()
      %scan3A_45 = arith.constant 0 : i32
      scf.yield %scan3A_45 : i32
    }
    %scan3A_22 = arith.constant 79 : i32
    %barrier3A_23 = arith.constant 0 : index
    tpu.barrier barrier_id(%barrier3A_23)
    %mul3A_24 = arith.constant 624 : i32
    %mul3A_25 = arith.muli %arg1, %mul3A_24 : i32
    %mul3A_26 = arith.constant 10000 : i32
    %mul3A_27 = arith.muli %arg0, %mul3A_26 : i32
    %add3A_28 = arith.addi %mul3A_27, %mul3A_25 : i32
    %multiple_of3A = tpu.assume_multiple %add3A_28, 8 : i32
    "tpu.region"() ({
      %run_scoped3A = tpu.sem_alloc : memref<!tpu.dma_semaphore, #tpu.memory_space<semaphore_mem>>
      %dma_start3A = arith.constant 0 : i32
      %dma_start3A_39 = tpu.memref_slice %arg5[%multiple_of3A, %dma_start3A] : memref<20000x128xf32, #tpu.memory_space<hbm>> -> memref<624x128xf32, #tpu.memory_space<hbm>>
      %dma_start3A_40 = arith.constant 0 : i32
      %dma_start3A_41 = tpu.memref_slice %arg9[%mul3A_25, %dma_start3A_40] : memref<10008x128xf32, #tpu.memory_space<vmem_shared>> -> memref<624x128xf32, #tpu.memory_space<vmem_shared>>
      tpu.enqueue_dma source(%dma_start3A_41 : memref<624x128xf32, #tpu.memory_space<vmem_shared>>) target(%dma_start3A_39 : memref<624x128xf32, #tpu.memory_space<hbm>>) target_semaphore(%run_scoped3A : memref<!tpu.dma_semaphore, #tpu.memory_space<semaphore_mem>>)
      %dma_wait3A = arith.constant 0 : i32
      %dma_wait3A_42 = tpu.memref_slice %arg5[%multiple_of3A, %dma_wait3A] : memref<20000x128xf32, #tpu.memory_space<hbm>> -> memref<624x128xf32, #tpu.memory_space<hbm>>
      %dma_wait3A_43 = arith.constant 0 : i32
      %dma_wait3A_44 = tpu.memref_slice %arg9[%mul3A_25, %dma_wait3A_43] : memref<10008x128xf32, #tpu.memory_space<vmem_shared>> -> memref<624x128xf32, #tpu.memory_space<vmem_shared>>
      tpu.wait_dma2 semaphore(%run_scoped3A : memref<!tpu.dma_semaphore, #tpu.memory_space<semaphore_mem>>) src(%dma_wait3A_44 : memref<624x128xf32, #tpu.memory_space<vmem_shared>>) dst(%dma_wait3A_42 : memref<624x128xf32, #tpu.memory_space<hbm>>)
      tpu.yield
    }) : () -> ()
    %mul3A_29 = arith.constant 10000 : i32
    %mul3A_30 = arith.muli %arg0, %mul3A_29 : i32
    %add3A_31 = arith.constant 9984 : i32
    %add3A_32 = arith.addi %mul3A_30, %add3A_31 : i32
    %multiple_of3A_33 = tpu.assume_multiple %add3A_32, 8 : i32
    %eq3A_34 = arith.constant 15 : i32
    %eq3A_35 = arith.cmpi eq, %arg1, %eq3A_34 : i32
    %convert_element_type3A_36 = arith.extui %eq3A_35 : i1 to i32
    %cond3A_37 = arith.constant 0 : i32
    %cond3A_38 = arith.cmpi ne, %convert_element_type3A_36, %cond3A_37 : i32
    scf.if %cond3A_38 {
      "tpu.region"() ({
        %run_scoped3A = tpu.sem_alloc : memref<!tpu.dma_semaphore, #tpu.memory_space<semaphore_mem>>
        %dma_start3A = arith.constant 0 : i32
        %dma_start3A_39 = tpu.memref_slice %arg5[%multiple_of3A_33, %dma_start3A] : memref<20000x128xf32, #tpu.memory_space<hbm>> -> memref<16x128xf32, #tpu.memory_space<hbm>>
        %dma_start3A_40 = arith.constant 9984 : i32
        %dma_start3A_41 = arith.constant 0 : i32
        %dma_start3A_42 = tpu.memref_slice %arg9[%dma_start3A_40, %dma_start3A_41] : memref<10008x128xf32, #tpu.memory_space<vmem_shared>> -> memref<16x128xf32, #tpu.memory_space<vmem_shared>>
        tpu.enqueue_dma source(%dma_start3A_42 : memref<16x128xf32, #tpu.memory_space<vmem_shared>>) target(%dma_start3A_39 : memref<16x128xf32, #tpu.memory_space<hbm>>) target_semaphore(%run_scoped3A : memref<!tpu.dma_semaphore, #tpu.memory_space<semaphore_mem>>)
        %dma_wait3A = arith.constant 0 : i32
        %dma_wait3A_43 = tpu.memref_slice %arg5[%multiple_of3A_33, %dma_wait3A] : memref<20000x128xf32, #tpu.memory_space<hbm>> -> memref<16x128xf32, #tpu.memory_space<hbm>>
        %dma_wait3A_44 = arith.constant 9984 : i32
        %dma_wait3A_45 = arith.constant 0 : i32
        %dma_wait3A_46 = tpu.memref_slice %arg9[%dma_wait3A_44, %dma_wait3A_45] : memref<10008x128xf32, #tpu.memory_space<vmem_shared>> -> memref<16x128xf32, #tpu.memory_space<vmem_shared>>
        tpu.wait_dma2 semaphore(%run_scoped3A : memref<!tpu.dma_semaphore, #tpu.memory_space<semaphore_mem>>) src(%dma_wait3A_46 : memref<16x128xf32, #tpu.memory_space<vmem_shared>>) dst(%dma_wait3A_43 : memref<16x128xf32, #tpu.memory_space<hbm>>)
        tpu.yield
      }) : () -> ()
    } else {
    }
    return
  }
}

#map = affine_map<(d0, d1) -> (0)>
#map1 = affine_map<(d0, d1) -> (0, 0)>
module attributes {stable_mosaic.version = 14 : i64} {
  func.func @_seg_sum_body(%arg0: i32, %arg1: i32, %arg2: memref<323584xi32, #tpu.memory_space<hbm>>, %arg3: memref<323584xi32, #tpu.memory_space<hbm>>, %arg4: memref<10000x128xf32, #tpu.memory_space<hbm>>, %arg5: memref<128x128xf32, #tpu.memory_space<hbm>>, %arg6: memref<20000x128xf32, #tpu.memory_space<hbm>>, %arg7: memref<128xi32, #tpu.memory_space<vmem>>, %arg8: memref<128xi32, #tpu.memory_space<vmem>>, %arg9: memref<128x128xf32, #tpu.memory_space<vmem>>, %arg10: memref<10008x128xf32, #tpu.memory_space<vmem_shared>>, %arg11: memref<!tpu.dma_semaphore, #tpu.memory_space<semaphore_mem>>) attributes {dimension_semantics = [#tpu.dimension_semantics<core_parallel>, #tpu.dimension_semantics<subcore_parallel>], iteration_bounds = array<i64: 2, 16>, scalar_prefetch = 0 : i64, scratch_operands = 5 : i64, tpu.core_type = #tpu.core_type<sc_vector_subcore>, window_params = [{transform_indices = #map}, {transform_indices = #map}, {transform_indices = #map1}, {transform_indices = #map1}, {transform_indices = #map1}]} {
    %mul3A = arith.constant 16 : i32
    %mul3A_0 = arith.muli %arg0, %mul3A : i32
    %add3A = arith.addi %mul3A_0, %arg1 : i32
    "tpu.region"() ({
      %run_scoped3A = tpu.sem_alloc : memref<!tpu.dma_semaphore, #tpu.memory_space<semaphore_mem>>
      tpu.enqueue_dma source(%arg5 : memref<128x128xf32, #tpu.memory_space<hbm>>) target(%arg9 : memref<128x128xf32, #tpu.memory_space<vmem>>) target_semaphore(%run_scoped3A : memref<!tpu.dma_semaphore, #tpu.memory_space<semaphore_mem>>)
      tpu.wait_dma2 semaphore(%run_scoped3A : memref<!tpu.dma_semaphore, #tpu.memory_space<semaphore_mem>>) src(%arg5 : memref<128x128xf32, #tpu.memory_space<hbm>>) dst(%arg9 : memref<128x128xf32, #tpu.memory_space<vmem>>)
      tpu.yield
    }) : () -> ()
    %mul3A_1 = arith.constant 624 : i32
    %mul3A_2 = arith.muli %arg1, %mul3A_1 : i32
    %add3A_3 = arith.constant 0 : i32
    %add3A_4 = arith.addi %mul3A_2, %add3A_3 : i32
    "tpu.region"() ({
      %run_scoped3A = tpu.sem_alloc : memref<!tpu.dma_semaphore, #tpu.memory_space<semaphore_mem>>
      %dma_start3A = arith.constant 0 : i32
      %dma_start3A_39 = tpu.memref_slice %arg10[%add3A_4, %dma_start3A] : memref<10008x128xf32, #tpu.memory_space<vmem_shared>> -> memref<128x128xf32, #tpu.memory_space<vmem_shared>>
      %dma_start3A_40 = arith.constant 0 : i32
      %dma_start3A_41 = tpu.memref_slice %arg10[%add3A_4, %dma_start3A_40] : memref<10008x128xf32, #tpu.memory_space<vmem_shared>> -> memref<128x128xf32, #tpu.memory_space<vmem_shared>>
      tpu.enqueue_dma source(%arg9 : memref<128x128xf32, #tpu.memory_space<vmem>>) target(%dma_start3A_41 : memref<128x128xf32, #tpu.memory_space<vmem_shared>>) target_semaphore(%run_scoped3A : memref<!tpu.dma_semaphore, #tpu.memory_space<semaphore_mem>>)
      %dma_wait3A = arith.constant 0 : i32
      %dma_wait3A_42 = tpu.memref_slice %arg10[%add3A_4, %dma_wait3A] : memref<10008x128xf32, #tpu.memory_space<vmem_shared>> -> memref<128x128xf32, #tpu.memory_space<vmem_shared>>
      %dma_wait3A_43 = arith.constant 0 : i32
      %dma_wait3A_44 = tpu.memref_slice %arg10[%add3A_4, %dma_wait3A_43] : memref<10008x128xf32, #tpu.memory_space<vmem_shared>> -> memref<128x128xf32, #tpu.memory_space<vmem_shared>>
      tpu.wait_dma2 semaphore(%run_scoped3A : memref<!tpu.dma_semaphore, #tpu.memory_space<semaphore_mem>>) src(%arg9 : memref<128x128xf32, #tpu.memory_space<vmem>>) dst(%dma_wait3A_44 : memref<128x128xf32, #tpu.memory_space<vmem_shared>>)
      tpu.yield
    }) : () -> ()
    %add3A_5 = arith.constant 128 : i32
    %add3A_6 = arith.addi %mul3A_2, %add3A_5 : i32
    "tpu.region"() ({
      %run_scoped3A = tpu.sem_alloc : memref<!tpu.dma_semaphore, #tpu.memory_space<semaphore_mem>>
      %dma_start3A = arith.constant 0 : i32
      %dma_start3A_39 = tpu.memref_slice %arg10[%add3A_6, %dma_start3A] : memref<10008x128xf32, #tpu.memory_space<vmem_shared>> -> memref<128x128xf32, #tpu.memory_space<vmem_shared>>
      %dma_start3A_40 = arith.constant 0 : i32
      %dma_start3A_41 = tpu.memref_slice %arg10[%add3A_6, %dma_start3A_40] : memref<10008x128xf32, #tpu.memory_space<vmem_shared>> -> memref<128x128xf32, #tpu.memory_space<vmem_shared>>
      tpu.enqueue_dma source(%arg9 : memref<128x128xf32, #tpu.memory_space<vmem>>) target(%dma_start3A_41 : memref<128x128xf32, #tpu.memory_space<vmem_shared>>) target_semaphore(%run_scoped3A : memref<!tpu.dma_semaphore, #tpu.memory_space<semaphore_mem>>)
      %dma_wait3A = arith.constant 0 : i32
      %dma_wait3A_42 = tpu.memref_slice %arg10[%add3A_6, %dma_wait3A] : memref<10008x128xf32, #tpu.memory_space<vmem_shared>> -> memref<128x128xf32, #tpu.memory_space<vmem_shared>>
      %dma_wait3A_43 = arith.constant 0 : i32
      %dma_wait3A_44 = tpu.memref_slice %arg10[%add3A_6, %dma_wait3A_43] : memref<10008x128xf32, #tpu.memory_space<vmem_shared>> -> memref<128x128xf32, #tpu.memory_space<vmem_shared>>
      tpu.wait_dma2 semaphore(%run_scoped3A : memref<!tpu.dma_semaphore, #tpu.memory_space<semaphore_mem>>) src(%arg9 : memref<128x128xf32, #tpu.memory_space<vmem>>) dst(%dma_wait3A_44 : memref<128x128xf32, #tpu.memory_space<vmem_shared>>)
      tpu.yield
    }) : () -> ()
    %add3A_7 = arith.constant 256 : i32
    %add3A_8 = arith.addi %mul3A_2, %add3A_7 : i32
    "tpu.region"() ({
      %run_scoped3A = tpu.sem_alloc : memref<!tpu.dma_semaphore, #tpu.memory_space<semaphore_mem>>
      %dma_start3A = arith.constant 0 : i32
      %dma_start3A_39 = tpu.memref_slice %arg10[%add3A_8, %dma_start3A] : memref<10008x128xf32, #tpu.memory_space<vmem_shared>> -> memref<128x128xf32, #tpu.memory_space<vmem_shared>>
      %dma_start3A_40 = arith.constant 0 : i32
      %dma_start3A_41 = tpu.memref_slice %arg10[%add3A_8, %dma_start3A_40] : memref<10008x128xf32, #tpu.memory_space<vmem_shared>> -> memref<128x128xf32, #tpu.memory_space<vmem_shared>>
      tpu.enqueue_dma source(%arg9 : memref<128x128xf32, #tpu.memory_space<vmem>>) target(%dma_start3A_41 : memref<128x128xf32, #tpu.memory_space<vmem_shared>>) target_semaphore(%run_scoped3A : memref<!tpu.dma_semaphore, #tpu.memory_space<semaphore_mem>>)
      %dma_wait3A = arith.constant 0 : i32
      %dma_wait3A_42 = tpu.memref_slice %arg10[%add3A_8, %dma_wait3A] : memref<10008x128xf32, #tpu.memory_space<vmem_shared>> -> memref<128x128xf32, #tpu.memory_space<vmem_shared>>
      %dma_wait3A_43 = arith.constant 0 : i32
      %dma_wait3A_44 = tpu.memref_slice %arg10[%add3A_8, %dma_wait3A_43] : memref<10008x128xf32, #tpu.memory_space<vmem_shared>> -> memref<128x128xf32, #tpu.memory_space<vmem_shared>>
      tpu.wait_dma2 semaphore(%run_scoped3A : memref<!tpu.dma_semaphore, #tpu.memory_space<semaphore_mem>>) src(%arg9 : memref<128x128xf32, #tpu.memory_space<vmem>>) dst(%dma_wait3A_44 : memref<128x128xf32, #tpu.memory_space<vmem_shared>>)
      tpu.yield
    }) : () -> ()
    %add3A_9 = arith.constant 384 : i32
    %add3A_10 = arith.addi %mul3A_2, %add3A_9 : i32
    "tpu.region"() ({
      %run_scoped3A = tpu.sem_alloc : memref<!tpu.dma_semaphore, #tpu.memory_space<semaphore_mem>>
      %dma_start3A = arith.constant 0 : i32
      %dma_start3A_39 = tpu.memref_slice %arg10[%add3A_10, %dma_start3A] : memref<10008x128xf32, #tpu.memory_space<vmem_shared>> -> memref<128x128xf32, #tpu.memory_space<vmem_shared>>
      %dma_start3A_40 = arith.constant 0 : i32
      %dma_start3A_41 = tpu.memref_slice %arg10[%add3A_10, %dma_start3A_40] : memref<10008x128xf32, #tpu.memory_space<vmem_shared>> -> memref<128x128xf32, #tpu.memory_space<vmem_shared>>
      tpu.enqueue_dma source(%arg9 : memref<128x128xf32, #tpu.memory_space<vmem>>) target(%dma_start3A_41 : memref<128x128xf32, #tpu.memory_space<vmem_shared>>) target_semaphore(%run_scoped3A : memref<!tpu.dma_semaphore, #tpu.memory_space<semaphore_mem>>)
      %dma_wait3A = arith.constant 0 : i32
      %dma_wait3A_42 = tpu.memref_slice %arg10[%add3A_10, %dma_wait3A] : memref<10008x128xf32, #tpu.memory_space<vmem_shared>> -> memref<128x128xf32, #tpu.memory_space<vmem_shared>>
      %dma_wait3A_43 = arith.constant 0 : i32
      %dma_wait3A_44 = tpu.memref_slice %arg10[%add3A_10, %dma_wait3A_43] : memref<10008x128xf32, #tpu.memory_space<vmem_shared>> -> memref<128x128xf32, #tpu.memory_space<vmem_shared>>
      tpu.wait_dma2 semaphore(%run_scoped3A : memref<!tpu.dma_semaphore, #tpu.memory_space<semaphore_mem>>) src(%arg9 : memref<128x128xf32, #tpu.memory_space<vmem>>) dst(%dma_wait3A_44 : memref<128x128xf32, #tpu.memory_space<vmem_shared>>)
      tpu.yield
    }) : () -> ()
    %add3A_11 = arith.constant 512 : i32
    %add3A_12 = arith.addi %mul3A_2, %add3A_11 : i32
    "tpu.region"() ({
      %run_scoped3A = tpu.sem_alloc : memref<!tpu.dma_semaphore, #tpu.memory_space<semaphore_mem>>
      %dma_start3A = arith.constant 0 : i32
      %dma_start3A_39 = arith.constant 0 : i32
      %dma_start3A_40 = tpu.memref_slice %arg9[%dma_start3A, %dma_start3A_39] : memref<128x128xf32, #tpu.memory_space<vmem>> -> memref<112x128xf32, #tpu.memory_space<vmem>>
      %dma_start3A_41 = arith.constant 0 : i32
      %dma_start3A_42 = tpu.memref_slice %arg10[%add3A_12, %dma_start3A_41] : memref<10008x128xf32, #tpu.memory_space<vmem_shared>> -> memref<112x128xf32, #tpu.memory_space<vmem_shared>>
      %dma_start3A_43 = arith.constant 0 : i32
      %dma_start3A_44 = tpu.memref_slice %arg10[%add3A_12, %dma_start3A_43] : memref<10008x128xf32, #tpu.memory_space<vmem_shared>> -> memref<112x128xf32, #tpu.memory_space<vmem_shared>>
      %dma_start3A_45 = arith.constant 0 : i32
      %dma_start3A_46 = arith.constant 0 : i32
      %dma_start3A_47 = tpu.memref_slice %arg9[%dma_start3A_45, %dma_start3A_46] : memref<128x128xf32, #tpu.memory_space<vmem>> -> memref<112x128xf32, #tpu.memory_space<vmem>>
      tpu.enqueue_dma source(%dma_start3A_47 : memref<112x128xf32, #tpu.memory_space<vmem>>) target(%dma_start3A_44 : memref<112x128xf32, #tpu.memory_space<vmem_shared>>) target_semaphore(%run_scoped3A : memref<!tpu.dma_semaphore, #tpu.memory_space<semaphore_mem>>)
      %dma_wait3A = arith.constant 0 : i32
      %dma_wait3A_48 = arith.constant 0 : i32
      %dma_wait3A_49 = tpu.memref_slice %arg9[%dma_wait3A, %dma_wait3A_48] : memref<128x128xf32, #tpu.memory_space<vmem>> -> memref<112x128xf32, #tpu.memory_space<vmem>>
      %dma_wait3A_50 = arith.constant 0 : i32
      %dma_wait3A_51 = tpu.memref_slice %arg10[%add3A_12, %dma_wait3A_50] : memref<10008x128xf32, #tpu.memory_space<vmem_shared>> -> memref<112x128xf32, #tpu.memory_space<vmem_shared>>
      %dma_wait3A_52 = arith.constant 0 : i32
      %dma_wait3A_53 = tpu.memref_slice %arg10[%add3A_12, %dma_wait3A_52] : memref<10008x128xf32, #tpu.memory_space<vmem_shared>> -> memref<112x128xf32, #tpu.memory_space<vmem_shared>>
      %dma_wait3A_54 = arith.constant 0 : i32
      %dma_wait3A_55 = arith.constant 0 : i32
      %dma_wait3A_56 = tpu.memref_slice %arg9[%dma_wait3A_54, %dma_wait3A_55] : memref<128x128xf32, #tpu.memory_space<vmem>> -> memref<112x128xf32, #tpu.memory_space<vmem>>
      tpu.wait_dma2 semaphore(%run_scoped3A : memref<!tpu.dma_semaphore, #tpu.memory_space<semaphore_mem>>) src(%dma_wait3A_56 : memref<112x128xf32, #tpu.memory_space<vmem>>) dst(%dma_wait3A_53 : memref<112x128xf32, #tpu.memory_space<vmem_shared>>)
      tpu.yield
    }) : () -> ()
    %eq3A = arith.constant 15 : i32
    %eq3A_13 = arith.cmpi eq, %arg1, %eq3A : i32
    %convert_element_type3A = arith.extui %eq3A_13 : i1 to i32
    %cond3A = arith.constant 0 : i32
    %cond3A_14 = arith.cmpi ne, %convert_element_type3A, %cond3A : i32
    scf.if %cond3A_14 {
      "tpu.region"() ({
        %run_scoped3A = tpu.sem_alloc : memref<!tpu.dma_semaphore, #tpu.memory_space<semaphore_mem>>
        %dma_start3A = arith.constant 0 : i32
        %dma_start3A_39 = arith.constant 0 : i32
        %dma_start3A_40 = tpu.memref_slice %arg9[%dma_start3A, %dma_start3A_39] : memref<128x128xf32, #tpu.memory_space<vmem>> -> memref<16x128xf32, #tpu.memory_space<vmem>>
        %dma_start3A_41 = arith.constant 9984 : i32
        %dma_start3A_42 = arith.constant 0 : i32
        %dma_start3A_43 = tpu.memref_slice %arg10[%dma_start3A_41, %dma_start3A_42] : memref<10008x128xf32, #tpu.memory_space<vmem_shared>> -> memref<16x128xf32, #tpu.memory_space<vmem_shared>>
        %dma_start3A_44 = arith.constant 9984 : i32
        %dma_start3A_45 = arith.constant 0 : i32
        %dma_start3A_46 = tpu.memref_slice %arg10[%dma_start3A_44, %dma_start3A_45] : memref<10008x128xf32, #tpu.memory_space<vmem_shared>> -> memref<16x128xf32, #tpu.memory_space<vmem_shared>>
        %dma_start3A_47 = arith.constant 0 : i32
        %dma_start3A_48 = arith.constant 0 : i32
        %dma_start3A_49 = tpu.memref_slice %arg9[%dma_start3A_47, %dma_start3A_48] : memref<128x128xf32, #tpu.memory_space<vmem>> -> memref<16x128xf32, #tpu.memory_space<vmem>>
        tpu.enqueue_dma source(%dma_start3A_49 : memref<16x128xf32, #tpu.memory_space<vmem>>) target(%dma_start3A_46 : memref<16x128xf32, #tpu.memory_space<vmem_shared>>) target_semaphore(%run_scoped3A : memref<!tpu.dma_semaphore, #tpu.memory_space<semaphore_mem>>)
        %dma_wait3A = arith.constant 0 : i32
        %dma_wait3A_50 = arith.constant 0 : i32
        %dma_wait3A_51 = tpu.memref_slice %arg9[%dma_wait3A, %dma_wait3A_50] : memref<128x128xf32, #tpu.memory_space<vmem>> -> memref<16x128xf32, #tpu.memory_space<vmem>>
        %dma_wait3A_52 = arith.constant 9984 : i32
        %dma_wait3A_53 = arith.constant 0 : i32
        %dma_wait3A_54 = tpu.memref_slice %arg10[%dma_wait3A_52, %dma_wait3A_53] : memref<10008x128xf32, #tpu.memory_space<vmem_shared>> -> memref<16x128xf32, #tpu.memory_space<vmem_shared>>
        %dma_wait3A_55 = arith.constant 9984 : i32
        %dma_wait3A_56 = arith.constant 0 : i32
        %dma_wait3A_57 = tpu.memref_slice %arg10[%dma_wait3A_55, %dma_wait3A_56] : memref<10008x128xf32, #tpu.memory_space<vmem_shared>> -> memref<16x128xf32, #tpu.memory_space<vmem_shared>>
        %dma_wait3A_58 = arith.constant 0 : i32
        %dma_wait3A_59 = arith.constant 0 : i32
        %dma_wait3A_60 = tpu.memref_slice %arg9[%dma_wait3A_58, %dma_wait3A_59] : memref<128x128xf32, #tpu.memory_space<vmem>> -> memref<16x128xf32, #tpu.memory_space<vmem>>
        tpu.wait_dma2 semaphore(%run_scoped3A : memref<!tpu.dma_semaphore, #tpu.memory_space<semaphore_mem>>) src(%dma_wait3A_60 : memref<16x128xf32, #tpu.memory_space<vmem>>) dst(%dma_wait3A_57 : memref<16x128xf32, #tpu.memory_space<vmem_shared>>)
        tpu.yield
      }) : () -> ()
    } else {
    }
    %barrier3A = arith.constant 0 : index
    tpu.barrier barrier_id(%barrier3A)
    %mul3A_15 = arith.constant 10112 : i32
    %mul3A_16 = arith.muli %add3A, %mul3A_15 : i32
    %scan3A = arith.constant 0 : i32
    %scan3A_17 = arith.constant 0 : i32
    %scan3A_18 = arith.constant 79 : i32
    %scan3A_19 = arith.addi %scan3A_17, %scan3A_18 : i32
    %scan3A_20 = arith.constant 1 : i32
    %scan3A_21 = scf.for %scan3A_39 = %scan3A_17 to %scan3A_19 step %scan3A_20 iter_args(%scan3A_40 = %scan3A) -> (i32)  : i32 {
      %mul3A_41 = arith.constant 128 : i32
      %mul3A_42 = arith.muli %scan3A_39, %mul3A_41 : i32
      %add3A_43 = arith.addi %mul3A_16, %mul3A_42 : i32
      %multiple_of3A_44 = tpu.assume_multiple %add3A_43, 128 : i32
      "tpu.region"() ({
        %run_scoped3A = tpu.sem_alloc : memref<!tpu.dma_semaphore, #tpu.memory_space<semaphore_mem>>
        %dma_start3A_50 = tpu.memref_slice %arg2[%multiple_of3A_44] : memref<323584xi32, #tpu.memory_space<hbm>> -> memref<128xi32, #tpu.memory_space<hbm>>
        %dma_start3A_51 = tpu.memref_slice %arg2[%multiple_of3A_44] : memref<323584xi32, #tpu.memory_space<hbm>> -> memref<128xi32, #tpu.memory_space<hbm>>
        tpu.enqueue_dma source(%dma_start3A_51 : memref<128xi32, #tpu.memory_space<hbm>>) target(%arg7 : memref<128xi32, #tpu.memory_space<vmem>>) target_semaphore(%run_scoped3A : memref<!tpu.dma_semaphore, #tpu.memory_space<semaphore_mem>>)
        %dma_wait3A_52 = tpu.memref_slice %arg2[%multiple_of3A_44] : memref<323584xi32, #tpu.memory_space<hbm>> -> memref<128xi32, #tpu.memory_space<hbm>>
        %dma_wait3A_53 = tpu.memref_slice %arg2[%multiple_of3A_44] : memref<323584xi32, #tpu.memory_space<hbm>> -> memref<128xi32, #tpu.memory_space<hbm>>
        tpu.wait_dma2 semaphore(%run_scoped3A : memref<!tpu.dma_semaphore, #tpu.memory_space<semaphore_mem>>) src(%dma_wait3A_53 : memref<128xi32, #tpu.memory_space<hbm>>) dst(%arg7 : memref<128xi32, #tpu.memory_space<vmem>>)
        tpu.yield
      }) : () -> ()
      "tpu.region"() ({
        %run_scoped3A = tpu.sem_alloc : memref<!tpu.dma_semaphore, #tpu.memory_space<semaphore_mem>>
        %dma_start3A_50 = tpu.memref_slice %arg3[%multiple_of3A_44] : memref<323584xi32, #tpu.memory_space<hbm>> -> memref<128xi32, #tpu.memory_space<hbm>>
        %dma_start3A_51 = tpu.memref_slice %arg3[%multiple_of3A_44] : memref<323584xi32, #tpu.memory_space<hbm>> -> memref<128xi32, #tpu.memory_space<hbm>>
        tpu.enqueue_dma source(%dma_start3A_51 : memref<128xi32, #tpu.memory_space<hbm>>) target(%arg8 : memref<128xi32, #tpu.memory_space<vmem>>) target_semaphore(%run_scoped3A : memref<!tpu.dma_semaphore, #tpu.memory_space<semaphore_mem>>)
        %dma_wait3A_52 = tpu.memref_slice %arg3[%multiple_of3A_44] : memref<323584xi32, #tpu.memory_space<hbm>> -> memref<128xi32, #tpu.memory_space<hbm>>
        %dma_wait3A_53 = tpu.memref_slice %arg3[%multiple_of3A_44] : memref<323584xi32, #tpu.memory_space<hbm>> -> memref<128xi32, #tpu.memory_space<hbm>>
        tpu.wait_dma2 semaphore(%run_scoped3A : memref<!tpu.dma_semaphore, #tpu.memory_space<semaphore_mem>>) src(%dma_wait3A_53 : memref<128xi32, #tpu.memory_space<hbm>>) dst(%arg8 : memref<128xi32, #tpu.memory_space<vmem>>)
        tpu.yield
      }) : () -> ()
      %dma_start3A = arith.constant 0 : i32
      %dma_start3A_45 = arith.constant 0 : i32
      %dma_start3A_46 = tpu.memref_slice %arg4[%dma_start3A, %dma_start3A_45] : memref<10000x128xf32, #tpu.memory_space<hbm>> -> memref<10000x128xf32, #tpu.memory_space<hbm>>
      tpu.enqueue_indirect_dma source(%dma_start3A_46 : memref<10000x128xf32, #tpu.memory_space<hbm>>) target(%arg9 : memref<128x128xf32, #tpu.memory_space<vmem>>) offsets(%arg7 : memref<128xi32, #tpu.memory_space<vmem>>) semaphore(%arg11 : memref<!tpu.dma_semaphore, #tpu.memory_space<semaphore_mem>>)
      %dma_wait3A = arith.constant 0 : i32
      %dma_wait3A_47 = arith.constant 0 : i32
      %dma_wait3A_48 = tpu.memref_slice %arg4[%dma_wait3A, %dma_wait3A_47] : memref<10000x128xf32, #tpu.memory_space<hbm>> -> memref<10000x128xf32, #tpu.memory_space<hbm>>
      tpu.wait_indirect_dma semaphore(%arg11 : memref<!tpu.dma_semaphore, #tpu.memory_space<semaphore_mem>>) src(%dma_wait3A_48 : memref<10000x128xf32, #tpu.memory_space<hbm>>) dst(%arg9 : memref<128x128xf32, #tpu.memory_space<vmem>>)
      "tpu.region"() ({
        %run_scoped3A = tpu.sem_alloc : memref<!tpu.dma_semaphore, #tpu.memory_space<semaphore_mem>>
        %dma_start3A_50 = arith.constant 0 : i32
        %dma_start3A_51 = arith.constant 0 : i32
        %dma_start3A_52 = tpu.memref_slice %arg10[%dma_start3A_50, %dma_start3A_51] : memref<10008x128xf32, #tpu.memory_space<vmem_shared>> -> memref<10008x128xf32, #tpu.memory_space<vmem_shared>>
        tpu.enqueue_indirect_dma source(%arg9 : memref<128x128xf32, #tpu.memory_space<vmem>>) target(%dma_start3A_52 : memref<10008x128xf32, #tpu.memory_space<vmem_shared>>) offsets(%arg8 : memref<128xi32, #tpu.memory_space<vmem>>) semaphore(%run_scoped3A : memref<!tpu.dma_semaphore, #tpu.memory_space<semaphore_mem>>) {add = true}
        %dma_wait3A_53 = arith.constant 0 : i32
        %dma_wait3A_54 = arith.constant 0 : i32
        %dma_wait3A_55 = tpu.memref_slice %arg10[%dma_wait3A_53, %dma_wait3A_54] : memref<10008x128xf32, #tpu.memory_space<vmem_shared>> -> memref<10008x128xf32, #tpu.memory_space<vmem_shared>>
        tpu.wait_indirect_dma semaphore(%run_scoped3A : memref<!tpu.dma_semaphore, #tpu.memory_space<semaphore_mem>>) src(%arg9 : memref<128x128xf32, #tpu.memory_space<vmem>>) dst(%dma_wait3A_55 : memref<10008x128xf32, #tpu.memory_space<vmem_shared>>)
        tpu.yield
      }) : () -> ()
      %scan3A_49 = arith.constant 0 : i32
      scf.yield %scan3A_49 : i32
    }
    %scan3A_22 = arith.constant 79 : i32
    %barrier3A_23 = arith.constant 0 : index
    tpu.barrier barrier_id(%barrier3A_23)
    %mul3A_24 = arith.constant 624 : i32
    %mul3A_25 = arith.muli %arg1, %mul3A_24 : i32
    %mul3A_26 = arith.constant 10000 : i32
    %mul3A_27 = arith.muli %arg0, %mul3A_26 : i32
    %add3A_28 = arith.addi %mul3A_27, %mul3A_25 : i32
    %multiple_of3A = tpu.assume_multiple %add3A_28, 8 : i32
    "tpu.region"() ({
      %run_scoped3A = tpu.sem_alloc : memref<!tpu.dma_semaphore, #tpu.memory_space<semaphore_mem>>
      %dma_start3A = arith.constant 0 : i32
      %dma_start3A_39 = tpu.memref_slice %arg6[%multiple_of3A, %dma_start3A] : memref<20000x128xf32, #tpu.memory_space<hbm>> -> memref<624x128xf32, #tpu.memory_space<hbm>>
      %dma_start3A_40 = arith.constant 0 : i32
      %dma_start3A_41 = tpu.memref_slice %arg10[%mul3A_25, %dma_start3A_40] : memref<10008x128xf32, #tpu.memory_space<vmem_shared>> -> memref<624x128xf32, #tpu.memory_space<vmem_shared>>
      tpu.enqueue_dma source(%dma_start3A_41 : memref<624x128xf32, #tpu.memory_space<vmem_shared>>) target(%dma_start3A_39 : memref<624x128xf32, #tpu.memory_space<hbm>>) target_semaphore(%run_scoped3A : memref<!tpu.dma_semaphore, #tpu.memory_space<semaphore_mem>>)
      %dma_wait3A = arith.constant 0 : i32
      %dma_wait3A_42 = tpu.memref_slice %arg6[%multiple_of3A, %dma_wait3A] : memref<20000x128xf32, #tpu.memory_space<hbm>> -> memref<624x128xf32, #tpu.memory_space<hbm>>
      %dma_wait3A_43 = arith.constant 0 : i32
      %dma_wait3A_44 = tpu.memref_slice %arg10[%mul3A_25, %dma_wait3A_43] : memref<10008x128xf32, #tpu.memory_space<vmem_shared>> -> memref<624x128xf32, #tpu.memory_space<vmem_shared>>
      tpu.wait_dma2 semaphore(%run_scoped3A : memref<!tpu.dma_semaphore, #tpu.memory_space<semaphore_mem>>) src(%dma_wait3A_44 : memref<624x128xf32, #tpu.memory_space<vmem_shared>>) dst(%dma_wait3A_42 : memref<624x128xf32, #tpu.memory_space<hbm>>)
      tpu.yield
    }) : () -> ()
    %mul3A_29 = arith.constant 10000 : i32
    %mul3A_30 = arith.muli %arg0, %mul3A_29 : i32
    %add3A_31 = arith.constant 9984 : i32
    %add3A_32 = arith.addi %mul3A_30, %add3A_31 : i32
    %multiple_of3A_33 = tpu.assume_multiple %add3A_32, 8 : i32
    %eq3A_34 = arith.constant 15 : i32
    %eq3A_35 = arith.cmpi eq, %arg1, %eq3A_34 : i32
    %convert_element_type3A_36 = arith.extui %eq3A_35 : i1 to i32
    %cond3A_37 = arith.constant 0 : i32
    %cond3A_38 = arith.cmpi ne, %convert_element_type3A_36, %cond3A_37 : i32
    scf.if %cond3A_38 {
      "tpu.region"() ({
        %run_scoped3A = tpu.sem_alloc : memref<!tpu.dma_semaphore, #tpu.memory_space<semaphore_mem>>
        %dma_start3A = arith.constant 0 : i32
        %dma_start3A_39 = tpu.memref_slice %arg6[%multiple_of3A_33, %dma_start3A] : memref<20000x128xf32, #tpu.memory_space<hbm>> -> memref<16x128xf32, #tpu.memory_space<hbm>>
        %dma_start3A_40 = arith.constant 9984 : i32
        %dma_start3A_41 = arith.constant 0 : i32
        %dma_start3A_42 = tpu.memref_slice %arg10[%dma_start3A_40, %dma_start3A_41] : memref<10008x128xf32, #tpu.memory_space<vmem_shared>> -> memref<16x128xf32, #tpu.memory_space<vmem_shared>>
        tpu.enqueue_dma source(%dma_start3A_42 : memref<16x128xf32, #tpu.memory_space<vmem_shared>>) target(%dma_start3A_39 : memref<16x128xf32, #tpu.memory_space<hbm>>) target_semaphore(%run_scoped3A : memref<!tpu.dma_semaphore, #tpu.memory_space<semaphore_mem>>)
        %dma_wait3A = arith.constant 0 : i32
        %dma_wait3A_43 = tpu.memref_slice %arg6[%multiple_of3A_33, %dma_wait3A] : memref<20000x128xf32, #tpu.memory_space<hbm>> -> memref<16x128xf32, #tpu.memory_space<hbm>>
        %dma_wait3A_44 = arith.constant 9984 : i32
        %dma_wait3A_45 = arith.constant 0 : i32
        %dma_wait3A_46 = tpu.memref_slice %arg10[%dma_wait3A_44, %dma_wait3A_45] : memref<10008x128xf32, #tpu.memory_space<vmem_shared>> -> memref<16x128xf32, #tpu.memory_space<vmem_shared>>
        tpu.wait_dma2 semaphore(%run_scoped3A : memref<!tpu.dma_semaphore, #tpu.memory_space<semaphore_mem>>) src(%dma_wait3A_46 : memref<16x128xf32, #tpu.memory_space<vmem_shared>>) dst(%dma_wait3A_43 : memref<16x128xf32, #tpu.memory_space<hbm>>)
        tpu.yield
      }) : () -> ()
    } else {
    }
    return
  }
}

module attributes {stable_mosaic.version = 14 : i64} {
  func.func @_combine_body(%arg0: i32, %arg1: memref<2x2000x128xf32, #tpu.memory_space<vmem>>, %arg2: memref<2x2000x128xf32, #tpu.memory_space<vmem>>, %arg3: memref<2000x128xf32, #tpu.memory_space<vmem>>, %arg4: memref<128x128xf32, #tpu.memory_space<vmem>>, %arg5: memref<128x128xf32, #tpu.memory_space<vmem>>, %arg6: memref<1x128xf32, #tpu.memory_space<vmem>>, %arg7: memref<2000x128xf32, #tpu.memory_space<vmem>>) attributes {dimension_semantics = [#tpu.dimension_semantics<arbitrary>], iteration_bounds = array<i64: 5>, scalar_prefetch = 0 : i64, scratch_operands = 0 : i64, tpu.core_type = #tpu.core_type<tc>, window_params = [{transform_indices = @transform_0, window_bounds = array<i64: 2, 2000, 128>}, {transform_indices = @transform_1, window_bounds = array<i64: 2, 2000, 128>}, {transform_indices = @transform_2, window_bounds = array<i64: 2000, 128>}, {pipeline_mode = #tpu.pipeline_mode<synchronous>, transform_indices = @transform_3, window_bounds = array<i64: 128, 128>}, {pipeline_mode = #tpu.pipeline_mode<synchronous>, transform_indices = @transform_4, window_bounds = array<i64: 128, 128>}, {pipeline_mode = #tpu.pipeline_mode<synchronous>, transform_indices = @transform_5, window_bounds = array<i64: 1, 128>}, {transform_indices = @transform_6, window_bounds = array<i64: 2000, 128>}]} {
    %get3A = arith.constant 0 : index
    %get3A_0 = arith.constant 0 : index
    %get3A_1 = arith.constant 0 : index
    %get3A_2 = vector.load %arg1[%get3A, %get3A_0, %get3A_1] : memref<2x2000x128xf32, #tpu.memory_space<vmem>>, vector<1x2000x128xf32>
    %get3A_3 = vector.shape_cast %get3A_2 : vector<1x2000x128xf32> to vector<2000x128xf32>
    %get3A_4 = arith.constant 1 : index
    %get3A_5 = arith.constant 0 : index
    %get3A_6 = arith.constant 0 : index
    %get3A_7 = vector.load %arg1[%get3A_4, %get3A_5, %get3A_6] : memref<2x2000x128xf32, #tpu.memory_space<vmem>>, vector<1x2000x128xf32>
    %get3A_8 = vector.shape_cast %get3A_7 : vector<1x2000x128xf32> to vector<2000x128xf32>
    %add3A = arith.addf %get3A_3, %get3A_8 : vector<2000x128xf32>
    %get3A_9 = arith.constant 0 : index
    %get3A_10 = arith.constant 0 : index
    %get3A_11 = arith.constant 0 : index
    %get3A_12 = vector.load %arg2[%get3A_9, %get3A_10, %get3A_11] : memref<2x2000x128xf32, #tpu.memory_space<vmem>>, vector<1x2000x128xf32>
    %get3A_13 = vector.shape_cast %get3A_12 : vector<1x2000x128xf32> to vector<2000x128xf32>
    %slice3A = vector.extract_strided_slice %get3A_13 {offsets = [0, 0], sizes = [2000, 1], strides = [1, 1]} : vector<2000x128xf32> to vector<2000x1xf32>
    %get3A_14 = arith.constant 1 : index
    %get3A_15 = arith.constant 0 : index
    %get3A_16 = arith.constant 0 : index
    %get3A_17 = vector.load %arg2[%get3A_14, %get3A_15, %get3A_16] : memref<2x2000x128xf32, #tpu.memory_space<vmem>>, vector<1x2000x128xf32>
    %get3A_18 = vector.shape_cast %get3A_17 : vector<1x2000x128xf32> to vector<2000x128xf32>
    %slice3A_19 = vector.extract_strided_slice %get3A_18 {offsets = [0, 0], sizes = [2000, 1], strides = [1, 1]} : vector<2000x128xf32> to vector<2000x1xf32>
    %add3A_20 = arith.addf %slice3A, %slice3A_19 : vector<2000x1xf32>
    %max3A = arith.constant 1.000000e+00 : f32
    %max3A_21 = vector.broadcast %max3A : f32 to vector<2000x1xf32>
    %max3A_22 = arith.maximumf %add3A_20, %max3A_21 : vector<2000x1xf32>
    %div3A = vector.broadcast %max3A_22 : vector<2000x1xf32> to vector<2000x128xf32>
    %div3A_23 = arith.divf %add3A, %div3A : vector<2000x128xf32>
    %get3A_24 = arith.constant 0 : index
    %get3A_25 = arith.constant 0 : index
    %get3A_26 = vector.load %arg4[%get3A_24, %get3A_25] : memref<128x128xf32, #tpu.memory_space<vmem>>, vector<128x128xf32>
    %dot_general3A = arith.constant dense<0.000000e+00> : vector<2000x128xf32>
    %dot_general3A_27 = tpu.matmul %div3A_23, %get3A_26, %dot_general3A {dimension_numbers = #tpu.dot_dimension_numbers<[1], [0], [0], [1], [0, 0, 1, 1], [], []>, transpose_lhs_hint = false} : vector<2000x128xf32>, vector<128x128xf32>, vector<2000x128xf32> -> vector<2000x128xf32>
    %get3A_28 = arith.constant 0 : index
    %get3A_29 = arith.constant 0 : index
    %get3A_30 = vector.load %arg3[%get3A_28, %get3A_29] : memref<2000x128xf32, #tpu.memory_space<vmem>>, vector<2000x128xf32>
    %get3A_31 = arith.constant 0 : index
    %get3A_32 = arith.constant 0 : index
    %get3A_33 = vector.load %arg5[%get3A_31, %get3A_32] : memref<128x128xf32, #tpu.memory_space<vmem>>, vector<128x128xf32>
    %dot_general3A_34 = arith.constant dense<0.000000e+00> : vector<2000x128xf32>
    %dot_general3A_35 = tpu.matmul %get3A_30, %get3A_33, %dot_general3A_34 {dimension_numbers = #tpu.dot_dimension_numbers<[1], [0], [0], [1], [0, 0, 1, 1], [], []>, transpose_lhs_hint = false} : vector<2000x128xf32>, vector<128x128xf32>, vector<2000x128xf32> -> vector<2000x128xf32>
    %add3A_36 = arith.addf %dot_general3A_27, %dot_general3A_35 : vector<2000x128xf32>
    %get3A_37 = arith.constant 0 : index
    %get3A_38 = arith.constant 0 : index
    %get3A_39 = vector.load %arg6[%get3A_37, %get3A_38] : memref<1x128xf32, #tpu.memory_space<vmem>>, vector<1x128xf32>
    %add3A_40 = vector.broadcast %get3A_39 : vector<1x128xf32> to vector<2000x128xf32>
    %add3A_41 = arith.addf %add3A_36, %add3A_40 : vector<2000x128xf32>
    %max3A_42 = arith.constant 0.000000e+00 : f32
    %max3A_43 = vector.broadcast %max3A_42 : f32 to vector<2000x128xf32>
    %max3A_44 = arith.maximumf %add3A_41, %max3A_43 : vector<2000x128xf32>
    %swap3A = arith.constant 0 : index
    %swap3A_45 = arith.constant 0 : index
    %swap3A_46 = vector.load %arg7[%swap3A, %swap3A_45] : memref<2000x128xf32, #tpu.memory_space<vmem>>, vector<2000x128xf32>
    tpu.vector_store %arg7[%swap3A, %swap3A_45], %max3A_44 {strides = array<i32>} : memref<2000x128xf32, #tpu.memory_space<vmem>>, vector<2000x128xf32>,
    return
  }
  func.func @transform_0(%arg0: i32) -> (i32, i32, i32) {
    %c0_i32 = arith.constant 0 : i32
    %c0_i32_0 = arith.constant 0 : i32
    %c0_i32_1 = arith.constant 0 : i32
    return %c0_i32, %arg0, %c0_i32_0 : i32, i32, i32
  }
  func.func @transform_1(%arg0: i32) -> (i32, i32, i32) {
    %c0_i32 = arith.constant 0 : i32
    %c0_i32_0 = arith.constant 0 : i32
    %c0_i32_1 = arith.constant 0 : i32
    return %c0_i32, %arg0, %c0_i32_0 : i32, i32, i32
  }
  func.func @transform_2(%arg0: i32) -> (i32, i32) {
    %c0_i32 = arith.constant 0 : i32
    %c0_i32_0 = arith.constant 0 : i32
    return %arg0, %c0_i32 : i32, i32
  }
  func.func @transform_3(%arg0: i32) -> (i32, i32) {
    %c0_i32 = arith.constant 0 : i32
    %c0_i32_0 = arith.constant 0 : i32
    %c0_i32_1 = arith.constant 0 : i32
    return %c0_i32, %c0_i32_0 : i32, i32
  }
  func.func @transform_4(%arg0: i32) -> (i32, i32) {
    %c0_i32 = arith.constant 0 : i32
    %c0_i32_0 = arith.constant 0 : i32
    %c0_i32_1 = arith.constant 0 : i32
    return %c0_i32, %c0_i32_0 : i32, i32
  }
  func.func @transform_5(%arg0: i32) -> (i32, i32) {
    %c0_i32 = arith.constant 0 : i32
    %c0_i32_0 = arith.constant 0 : i32
    %c0_i32_1 = arith.constant 0 : i32
    return %c0_i32, %c0_i32_0 : i32, i32
  }
  func.func @transform_6(%arg0: i32) -> (i32, i32) {
    %c0_i32 = arith.constant 0 : i32
    %c0_i32_0 = arith.constant 0 : i32
    return %arg0, %c0_i32 : i32, i32
  }
}

module attributes {stable_mosaic.version = 14 : i64} {
  func.func @_combine_body(%arg0: i32, %arg1: memref<2x2000x128xf32, #tpu.memory_space<vmem>>, %arg2: memref<2x2000x128xf32, #tpu.memory_space<vmem>>, %arg3: memref<2000x128xf32, #tpu.memory_space<vmem>>, %arg4: memref<128x128xf32, #tpu.memory_space<vmem>>, %arg5: memref<128x128xf32, #tpu.memory_space<vmem>>, %arg6: memref<1x128xf32, #tpu.memory_space<vmem>>, %arg7: memref<2000x128xf32, #tpu.memory_space<vmem>>) attributes {dimension_semantics = [#tpu.dimension_semantics<arbitrary>], iteration_bounds = array<i64: 5>, scalar_prefetch = 0 : i64, scratch_operands = 0 : i64, tpu.core_type = #tpu.core_type<tc>, window_params = [{transform_indices = @transform_0, window_bounds = array<i64: 2, 2000, 128>}, {transform_indices = @transform_1, window_bounds = array<i64: 2, 2000, 128>}, {transform_indices = @transform_2, window_bounds = array<i64: 2000, 128>}, {pipeline_mode = #tpu.pipeline_mode<synchronous>, transform_indices = @transform_3, window_bounds = array<i64: 128, 128>}, {pipeline_mode = #tpu.pipeline_mode<synchronous>, transform_indices = @transform_4, window_bounds = array<i64: 128, 128>}, {pipeline_mode = #tpu.pipeline_mode<synchronous>, transform_indices = @transform_5, window_bounds = array<i64: 1, 128>}, {transform_indices = @transform_6, window_bounds = array<i64: 2000, 128>}]} {
    %get3A = arith.constant 0 : index
    %get3A_0 = arith.constant 0 : index
    %get3A_1 = arith.constant 0 : index
    %get3A_2 = vector.load %arg1[%get3A, %get3A_0, %get3A_1] : memref<2x2000x128xf32, #tpu.memory_space<vmem>>, vector<1x2000x128xf32>
    %get3A_3 = vector.shape_cast %get3A_2 : vector<1x2000x128xf32> to vector<2000x128xf32>
    %get3A_4 = arith.constant 1 : index
    %get3A_5 = arith.constant 0 : index
    %get3A_6 = arith.constant 0 : index
    %get3A_7 = vector.load %arg1[%get3A_4, %get3A_5, %get3A_6] : memref<2x2000x128xf32, #tpu.memory_space<vmem>>, vector<1x2000x128xf32>
    %get3A_8 = vector.shape_cast %get3A_7 : vector<1x2000x128xf32> to vector<2000x128xf32>
    %add3A = arith.addf %get3A_3, %get3A_8 : vector<2000x128xf32>
    %get3A_9 = arith.constant 0 : index
    %get3A_10 = arith.constant 0 : index
    %get3A_11 = arith.constant 0 : index
    %get3A_12 = vector.load %arg2[%get3A_9, %get3A_10, %get3A_11] : memref<2x2000x128xf32, #tpu.memory_space<vmem>>, vector<1x2000x128xf32>
    %get3A_13 = vector.shape_cast %get3A_12 : vector<1x2000x128xf32> to vector<2000x128xf32>
    %slice3A = vector.extract_strided_slice %get3A_13 {offsets = [0, 0], sizes = [2000, 1], strides = [1, 1]} : vector<2000x128xf32> to vector<2000x1xf32>
    %get3A_14 = arith.constant 1 : index
    %get3A_15 = arith.constant 0 : index
    %get3A_16 = arith.constant 0 : index
    %get3A_17 = vector.load %arg2[%get3A_14, %get3A_15, %get3A_16] : memref<2x2000x128xf32, #tpu.memory_space<vmem>>, vector<1x2000x128xf32>
    %get3A_18 = vector.shape_cast %get3A_17 : vector<1x2000x128xf32> to vector<2000x128xf32>
    %slice3A_19 = vector.extract_strided_slice %get3A_18 {offsets = [0, 0], sizes = [2000, 1], strides = [1, 1]} : vector<2000x128xf32> to vector<2000x1xf32>
    %add3A_20 = arith.addf %slice3A, %slice3A_19 : vector<2000x1xf32>
    %max3A = arith.constant 1.000000e+00 : f32
    %max3A_21 = vector.broadcast %max3A : f32 to vector<2000x1xf32>
    %max3A_22 = arith.maximumf %add3A_20, %max3A_21 : vector<2000x1xf32>
    %div3A = vector.broadcast %max3A_22 : vector<2000x1xf32> to vector<2000x128xf32>
    %div3A_23 = arith.divf %add3A, %div3A : vector<2000x128xf32>
    %get3A_24 = arith.constant 0 : index
    %get3A_25 = arith.constant 0 : index
    %get3A_26 = vector.load %arg4[%get3A_24, %get3A_25] : memref<128x128xf32, #tpu.memory_space<vmem>>, vector<128x128xf32>
    %dot_general3A = arith.constant dense<0.000000e+00> : vector<2000x128xf32>
    %dot_general3A_27 = tpu.matmul %div3A_23, %get3A_26, %dot_general3A {dimension_numbers = #tpu.dot_dimension_numbers<[1], [0], [0], [1], [0, 0, 1, 1], [], []>, transpose_lhs_hint = false} : vector<2000x128xf32>, vector<128x128xf32>, vector<2000x128xf32> -> vector<2000x128xf32>
    %get3A_28 = arith.constant 0 : index
    %get3A_29 = arith.constant 0 : index
    %get3A_30 = vector.load %arg3[%get3A_28, %get3A_29] : memref<2000x128xf32, #tpu.memory_space<vmem>>, vector<2000x128xf32>
    %get3A_31 = arith.constant 0 : index
    %get3A_32 = arith.constant 0 : index
    %get3A_33 = vector.load %arg5[%get3A_31, %get3A_32] : memref<128x128xf32, #tpu.memory_space<vmem>>, vector<128x128xf32>
    %dot_general3A_34 = arith.constant dense<0.000000e+00> : vector<2000x128xf32>
    %dot_general3A_35 = tpu.matmul %get3A_30, %get3A_33, %dot_general3A_34 {dimension_numbers = #tpu.dot_dimension_numbers<[1], [0], [0], [1], [0, 0, 1, 1], [], []>, transpose_lhs_hint = false} : vector<2000x128xf32>, vector<128x128xf32>, vector<2000x128xf32> -> vector<2000x128xf32>
    %add3A_36 = arith.addf %dot_general3A_27, %dot_general3A_35 : vector<2000x128xf32>
    %get3A_37 = arith.constant 0 : index
    %get3A_38 = arith.constant 0 : index
    %get3A_39 = vector.load %arg6[%get3A_37, %get3A_38] : memref<1x128xf32, #tpu.memory_space<vmem>>, vector<1x128xf32>
    %add3A_40 = vector.broadcast %get3A_39 : vector<1x128xf32> to vector<2000x128xf32>
    %add3A_41 = arith.addf %add3A_36, %add3A_40 : vector<2000x128xf32>
    %swap3A = arith.constant 0 : index
    %swap3A_42 = arith.constant 0 : index
    %swap3A_43 = vector.load %arg7[%swap3A, %swap3A_42] : memref<2000x128xf32, #tpu.memory_space<vmem>>, vector<2000x128xf32>
    tpu.vector_store %arg7[%swap3A, %swap3A_42], %add3A_41 {strides = array<i32>} : memref<2000x128xf32, #tpu.memory_space<vmem>>, vector<2000x128xf32>,
    return
  }
  func.func @transform_0(%arg0: i32) -> (i32, i32, i32) {
    %c0_i32 = arith.constant 0 : i32
    %c0_i32_0 = arith.constant 0 : i32
    %c0_i32_1 = arith.constant 0 : i32
    return %c0_i32, %arg0, %c0_i32_0 : i32, i32, i32
  }
  func.func @transform_1(%arg0: i32) -> (i32, i32, i32) {
    %c0_i32 = arith.constant 0 : i32
    %c0_i32_0 = arith.constant 0 : i32
    %c0_i32_1 = arith.constant 0 : i32
    return %c0_i32, %arg0, %c0_i32_0 : i32, i32, i32
  }
  func.func @transform_2(%arg0: i32) -> (i32, i32) {
    %c0_i32 = arith.constant 0 : i32
    %c0_i32_0 = arith.constant 0 : i32
    return %arg0, %c0_i32 : i32, i32
  }
  func.func @transform_3(%arg0: i32) -> (i32, i32) {
    %c0_i32 = arith.constant 0 : i32
    %c0_i32_0 = arith.constant 0 : i32
    %c0_i32_1 = arith.constant 0 : i32
    return %c0_i32, %c0_i32_0 : i32, i32
  }
  func.func @transform_4(%arg0: i32) -> (i32, i32) {
    %c0_i32 = arith.constant 0 : i32
    %c0_i32_0 = arith.constant 0 : i32
    %c0_i32_1 = arith.constant 0 : i32
    return %c0_i32, %c0_i32_0 : i32, i32
  }
  func.func @transform_5(%arg0: i32) -> (i32, i32) {
    %c0_i32 = arith.constant 0 : i32
    %c0_i32_0 = arith.constant 0 : i32
    %c0_i32_1 = arith.constant 0 : i32
    return %c0_i32, %c0_i32_0 : i32, i32
  }
  func.func @transform_6(%arg0: i32) -> (i32, i32) {
    %c0_i32 = arith.constant 0 : i32
    %c0_i32_0 = arith.constant 0 : i32
    return %arg0, %c0_i32 : i32, i32
  }
}

</mosaic_0001>

<sc_bundles>
// kernel: kernel.12.cloned.1.call-start
scs
__scs_entry_jumppad:
0x0: {  	(pc) =	sbr.rel $0x88, $3  }
0x1: {  	(tag) =	ssettag $0x0;
	lr =	simm.s32 $0x1  }
0x2: {  	[smem:$0x3F96] =	sst lr;
	_ =	strace $0xD0000000  }
0x3: {  	_ = 	snop  }
0x4: {  	_ = 	snop  }
0x5: {  	_ = 	snop  }
0x6: {  	_ = 	snop  }
0x7: {  	_ = 	snop  }
__scs_overlays_trampoline_lowered:
0x8: {  	[smem:$0x3FA5] =	sst s0  }
0x9: {  	[smem:$0x3FA6] =	sst s1  }
0xa: {  	[smem:$0x3FA7] =	sst s2  }
0xb: {  	[smem:$0x3FA8] =	sst s3  }
0xc: {  	[smem:$0x3FA9] =	sst s4  }
0xd: {  	[smem:$0x3FAA] =	sst s5  }
0xe: {  	[smem:$0x3FAB] =	sst s6  }
0xf: {  	[smem:$0x3FAC] =	sst s7  }
0x10: {  	[smem:$0x3FAD] =	sst s8  }
0x11: {  	[smem:$0x3FAE] =	sst s9;
	s0 =	simm.s32 @!p0 $0x0  }
0x12: {  	s1 =	sld [smem:$0x3F94];
	s0 =	simm.s32 @p0 $0x1  }
0x13: {  	[smem:$0x3FAF] =	sst s0;
	s0 =	simm.s32 @!p1 $0x0  }
0x14: {  	s2 =	sld [smem:$0x3F93];
	s0 =	simm.s32 @p1 $0x1  }
0x15: {  	[smem:$0x3FB0] =	sst s0;
	s0 =	simm.s32 @!p2 $0x0  }
0x16: {  	s3 =	sld [smem:$0x3FDB];
	s0 =	simm.s32 @p2 $0x1  }
0x17: {  	s4 =	simm.s32 $0x1BF5;
	[smem:$0x3FB2] =	sst s0  }
0x18: {  	s0 =	sld [smem:$0x3F95];
	_ =	swait.ge [sflag:s4], $0x0  }
0x19: {  	s7 =	sld [smem:$0x3F96]  }
0x1a: {  	s8 =	sadd.s32 $0xFFFFE003, lr  }
0x1b: {  	s9 =	sadd.s32 $0xFFFFFEF7, lr;
	s5 =	simm.s32 $0xFFFFFFFF;
	p2 =	slt.u32 s8, $0xFFFFF086  }
0x1c: {  	p1 =	slt.u32 s9, $0xF7A;
	s5 =	simm.s32 @!p2 $0x0  }
0x1d: {  	s5 =	simm.s32 @p1 $0x1;
	p0 =	seq.s32 s7, s2  }
0x1e: {  	s7 =	smul.u32 @!p0 $0xF7A, s2;
	p2 =	seq.s32 @!p0 s5, $0x0  }
0x1f: {  	s9 =	smul.u32 $0xF7A, s1;
	s8 =	simm.s32 @!p0 $0x1BF5;
	p2 =	por !p2, p0  }
0x20: {  	[sflag:s8] =	ssyncset.s32 @!p0 $0xFFFFF086;
	s6 =	sadd.s32 @!p0 s3, s7;
	s7 =	simm.s32 @!p0 $0x108  }
0x21: {  	s3 =	sadd.s32 s3, s9;
	s6 =	sadd.s32 @!p0 $0x88, s6;
	s7 =	simm.s32 @p2 $0x1082  }
0x22: {  	[simem:s7], [sflag:s8] =	dma.local @!p0 [hbm:s6], $0xF7A  }
0x23: {  	s9 =	sor.u32 $0xD0000000, s2;
	s6 =	simm.s32 $0x108;
	_ =	swait.ge @!p0 [sflag:s8], $0x0  }
0x24: {  	s3 =	sadd.s32 $0x88, s3;
	s6 =	simm.s32 @!p1 $0x1082;
	[sflag:s4] =	ssyncset.s32 $0xFFFFF086  }
0x25: {  	[simem:s6], [sflag:s4] =	dma.local [hbm:s3], $0xF7A  }
0x26: {  	[smem:$0x3F96] =	sst s1;
	(tag) =	ssettag s2;
	_ =	strace s9  }
0x27: {  	s1 =	sld [smem:$0x3FA6]  }
0x28: {  	s2 =	sld [smem:$0x3FA7]  }
0x29: {  	s4 =	sld [smem:$0x3FA9]  }
0x2a: {  	p0 =	seq.s32 s5, $0x0;
	s5 =	sld [smem:$0x3FAA]  }
0x2b: {  	s6 =	sld [smem:$0x3FAB]  }
0x2c: {  	s7 =	sld [smem:$0x3FAC]  }
0x2d: {  	s3 =	simm.s32 $0x108;
	s8 =	sld [smem:$0x3FAD]  }
0x2e: {  	s3 =	simm.s32 @!p0 $0x1082;
	s9 =	sld [smem:$0x3FAE]  }
0x2f: {  	lr =	sadd.s32 s0, s3;
	s0 =	sld [smem:$0x3FA5]  }
0x30: {  	s3 =	sld [smem:$0x3FA8]  }
0x31: {  	[smem:$0x3FB1] =	sst s10  }
0x32: {  	s10 =	sld [smem:$0x3FAF];
	_ =	sdelay $0x3  }
0x33: {  	p0 =	seq.s32 s10, $0x1;
	s10 =	sld [smem:$0x3FB1];
	_ =	sdelay $0x3  }
0x34: {  	[smem:$0x3FB1] =	sst s10  }
0x35: {  	s10 =	sld [smem:$0x3FB0];
	_ =	sdelay $0x3  }
0x36: {  	p1 =	seq.s32 s10, $0x1;
	s10 =	sld [smem:$0x3FB1];
	_ =	sdelay $0x3  }
0x37: {  	[smem:$0x3FB1] =	sst s10  }
0x38: {  	s10 =	sld [smem:$0x3FB2]  }
0x39: {  	_ = 	snop;
	(pc) =	sbr.ind lr, $3  }
0x3a: {  	_ = 	snop  }
0x3b: {  	_ = 	snop  }
0x3c: {  	p2 =	seq.s32 s10, $0x1;
	s10 =	sld [smem:$0x3FB1]  }
0x3d: {  	_ =	shalt  }
0x3e: {  	_ =	shalt  }
0x3f: {  	_ =	shalt  }
0x40: {  	_ =	shalt  }
0x41: {  	_ =	shalt  }
0x42: {  	_ =	shalt  }
0x43: {  	_ =	shalt  }
0x44: {  	_ =	shalt  }
0x45: {  	_ =	shalt  }
0x46: {  	_ =	shalt  }
0x47: {  	_ =	shalt  }
0x48: {  	_ =	shalt  }
0x49: {  	_ =	shalt  }
0x4a: {  	_ =	shalt  }
0x4b: {  	_ =	shalt  }
0x4c: {  	_ =	shalt  }
0x4d: {  	_ =	shalt  }
0x4e: {  	_ =	shalt  }
0x4f: {  	_ =	shalt  }
0x50: {  	_ =	shalt  }
0x51: {  	_ =	shalt  }
0x52: {  	_ =	shalt  }
0x53: {  	_ =	shalt  }
0x54: {  	_ =	shalt  }
0x55: {  	_ =	shalt  }
0x56: {  	_ =	shalt  }
0x57: {  	_ =	shalt  }
0x58: {  	_ =	shalt  }
0x59: {  	_ =	shalt  }
0x5a: {  	_ =	shalt  }
0x5b: {  	_ =	shalt  }
0x5c: {  	_ =	shalt  }
0x5d: {  	_ =	shalt  }
0x5e: {  	_ =	shalt  }
0x5f: {  	_ =	shalt  }
0x60: {  	_ =	shalt  }
0x61: {  	_ =	shalt  }
0x62: {  	_ =	shalt  }
0x63: {  	_ =	shalt  }
0x64: {  	_ =	shalt  }
0x65: {  	_ =	shalt  }
0x66: {  	_ =	shalt  }
0x67: {  	_ =	shalt  }
0x68: {  	_ =	shalt  }
0x69: {  	_ =	shalt  }
0x6a: {  	_ =	shalt  }
0x6b: {  	_ =	shalt  }
0x6c: {  	_ =	shalt  }
0x6d: {  	_ =	shalt  }
0x6e: {  	_ =	shalt  }
0x6f: {  	_ =	shalt  }
0x70: {  	_ =	shalt  }
0x71: {  	_ =	shalt  }
0x72: {  	_ =	shalt  }
0x73: {  	_ =	shalt  }
0x74: {  	_ =	shalt  }
0x75: {  	_ =	shalt  }
0x76: {  	_ =	shalt  }
0x77: {  	_ =	shalt  }
0x78: {  	_ =	shalt  }
0x79: {  	_ =	shalt  }
0x7a: {  	_ =	shalt  }
0x7b: {  	_ =	shalt  }
0x7c: {  	_ =	shalt  }
0x7d: {  	_ =	shalt  }
0x7e: {  	_ =	shalt  }
0x7f: {  	_ =	shalt  }
0x80: {  	_ =	shalt  }
0x81: {  	_ =	shalt  }
0x82: {  	_ =	shalt  }
0x83: {  	_ =	shalt  }
0x84: {  	_ =	shalt  }
0x85: {  	_ =	shalt  }
0x86: {  	_ =	shalt  }
0x87: {  	_ =	shalt  }
.Lfunc_end0:
.L_simem_size_0:
called_computation.1_lowered:
.L_overlay_start_0:
0x88: {  	s2 =	sld [smem:$0x3FD9]  }
0x89: {  	s3 =	sld [smem:$0x3FFE];
	_ =	sdelay $0x1  }
0x8a: {  	s1 =	srdreg.scid  }
0x8b: {  	s0 =	sand.u32 $0x1, s1  }
0x8c: {  	s17 =	sshll.u32 s0, $0xA;
	s2 =	sadd.s32 s3, s2  }
0x8d: {  	s2 =	sadd.s32 s2, s17  }
0x8e: {  	[smem:$0x3FBD] =	sst s2  }
0x8f: {  	_ = 	snop  }
0x90: {  	s2 =	sld [smem:$0x3FC9];
	(tm) =	ssettm $0x1  }
0x91: {  	s18 =	sld [smem:$0x3FFB];
	_ =	sdelay $0x3  }
0x92: {  	_ =	strace s18  }
0x93: {  	s3 =	sld [smem:$0x3FFC];
	_ =	sdelay $0x3  }
0x94: {  	_ =	strace s3  }
0x95: {  	s3 =	sld [smem:$0x3FFD];
	_ =	sdelay $0x3  }
0x96: {  	_ =	strace s3  }
0x97: {  	_ =	strace $0x8FFFFFFF  }
0x98: {  	s19 =	sld [smem:$0x3FDB];
	_ =	sdelay $0x1  }
0x99: {  	s4 =	simm.s32 $_scs_section_size  }
0x9a: {  	s5 =	simm.s32 $_size__tile_overlayer_lowered;
	s6 =	simm.s32 $_tile_overlayer_lowered  }
0x9b: {  	s22 =	simm.s32 $0x1BFF;
	s21 =	sshll.u32 s6, $0x1;
	s3 =	sadd.s32 s4, s19  }
0x9c: {  	s7 =	simm.s32 $0x0;
	s20 =	sshll.u32 s5, $0x1;
	s5 =	sadd.s32 s21, s3  }
0x9d: {  	[timem:s7], [sflag:s22] =	dma.local [hbm:s5], s20  }
0x9e: {  	_ =	swait.ge [sflag:s22], s20  }
0x9f: {  	s4 =	ssub.s32 $0x0, s20;
	[sflag:s22] =	ssyncset.done $0x0  }
0xa0: {  	[sflag:s22] =	ssyncadd.s32 s4;
	_ =	sdelay $0x1  }
0xa1: {  	s23 =	simm.s32 $0x1B8B  }
0xa2: {  	_ =	swait.ge [sflag:s23], $0x1  }
0xa3: {  	[sflag:s23] =	ssyncset.done $0x0  }
0xa4: {  	s25 =	simm.s32 $0x1B8E;
	s24 =	sld [smem:$0x3FFE];
	[sflag:s23] =	ssyncadd.s32 $0xFFFFFFFF  }
0xa5: {  	s26 =	simm.s32 $execute0_lowered;
	[smem:$0x3FD2] =	sst s25  }
0xa6: {  	s5 =	sshll.u32 s26, $0x1;
	_ =	strace $0x80000046;
	[dreg:$0x1] =	wrdreg $0xFFFFFFFF  }
0xa7: {  	s28 =	simm.s32 $_size_execute0_lowered;
	s3 =	sadd.s32 s3, s5;
	[dreg:$0x0] =	wrdreg $0x0  }
0xa8: {  	s5 =	sshll.u32 s28, $0x1;
	[dreg:$0x2] =	wrdreg s3  }
0xa9: {  	[dreg:$0x3] =	wrdreg s5  }
0xaa: {  	[dreg:$0x4] =	wrdreg $0xC0  }
0xab: {  	_ =	task [dreg:s7], $0x5FFFF  }
0xac: {  	[dreg:$0x1] =	wrdreg $0xFFFFFFFF  }
0xad: {  	[dreg:$0x0] =	wrdreg $0x60  }
0xae: {  	[dreg:$0x2] =	wrdreg s24  }
0xaf: {  	[dreg:$0x3] =	wrdreg s2  }
0xb0: {  	[dreg:$0x4] =	wrdreg $0x41000  }
0xb1: {  	[dreg:$0x5] =	wrdreg $0xA  }
0xb2: {  	_ =	task.clear_ibuf [dreg:s7], $0x6FFFF;
	_ =	strace $0x90000046  }
0xb3: {  	s29 =	simm.s32 $0xA;
	_ =	strace $0x80000048  }
0xb4: {  	_ =	swait.ge [sflag:s29], $0x1  }
0xb5: {  	[sflag:s29] =	ssyncadd.s32 $0xFFFFFFFF  }
0xb6: {  	_ =	strace $0x90000048  }
0xb7: {  	_ =	sfence  }
0xb8: {  	s30 =	sld [smem:$0x0];
	_ =	sdelay $0x2  }
0xb9: {  	s31 =	sshll.u32 s1, $0xD;
	s1 =	sshrl.u32 s1, $0x2  }
0xba: {  	s3 =	sand.u32 $0x4000, s31;
	s1 =	sadd.s32 s1, s30  }
0xbb: {  	s0 =	sor.u32 s3, s0;
	s1 =	sshll.u32 s1, $0x11  }
0xbc: {  	s0 =	sor.u32 s1, s0  }
0xbd: {  	s0 =	sadd.s32 $0x8F2B, s0  }
0xbe: {  	[sflag:s0] =	ssyncadd.remote.s32 $0x1  }
0xbf: {  	_ =	sfence.sel $0xFFFF  }
0xc0: {  	[dreg:$0x0] =	wrdreg $0xFFFFFFFF;
	(pc) =	sbr.abs _section_cstart, $3  }
0xc1: {  	[dreg:$0x1] =	wrdreg $0xFFFFFFFF  }
0xc2: {  	_ =	task.clear_ibuf [dreg:s7], $0x2FFFF;
	_ =	strace $0x9FFFFFFF  }
0xc3: {  	(tm) =	ssettm $0x7FFFFFFF  }
tec
execute0_lowered:
.L_overlay_start_1:
0x0: {  	(tag) =	ssettag $0x1  }
0x1: {  	s6 =	rddreg [dreg:$0x0]  }
0x2: {  	s1 =	rddreg [dreg:$0x1]  }
0x3: {  	s2 =	rddreg [dreg:$0x2];
	s4 =	srdreg.scid  }
0x4: {  	s0 =	rddreg [dreg:$0x3];
	s8 =	sand.u32 $0x1, s4  }
0x5: {  	s3 =	simm.s32 $0x0;
	s4 =	stileid.u32;
	s5 =	smul.u32 $0x4F00, s8  }
0x6: {  	s18 =	simm.s32 $0x2;
	s19 =	simm.s32 $0x80;
	s7 =	smul.u32 $0x4E000, s4  }
0x7: {  	s20 =	simm.s32 $0x1;
	s24 =	simm.s32 $0x0;
	s11 =	smul.u32 $0x2700, s4  }
0x8: {  	[smem:$0x7FF] =	sst s3;
	s13 =	sadd.s32 $0x17400, s6;
	s12 =	smul.u32 $0x27100, s8  }
0x9: {  	_ =	strace $0x80000047;
	s9 =	ssub.s32 $0x2, s8;
	s16 =	smul.u32 $0x138800, s8  }
0xa: {  	s17 =	smul.u32 $0x4F0, s4;
	p0 =	sne.s32 s4, $0xF;
	s21 =	sshll.u32 s4, $0x6  }
0xb: {  	s30 =	sshrl.u32 s9, $0x1;
	s21 =	sor.u32 $0x1C02, s21;
	s15 =	sadd.s32 s5, s6  }
0xc: {  	s5 =	sadd.s32 $0x16C00, s6;
	s29 =	sshrl.u32 s7, $0x2;
	s14 =	ssub.s32 s9, s30  }
0xd: {  	s12 =	sadd.s32 s11, s12;
	s16 =	sshrl.u32 s16, $0x3;
	s11 =	sadd.s32 $0x138000, s2  }
0xe: {  	s6 =	sadd.s32 s29, s2;
	s12 =	sadd.s32 s13, s12;
	s13 =	sadd.s32 s13, s16  }
0xf: {  	s14 =	smax.u32 s14, $0x1;
	s31 =	sadd.s32 s17, s15;
	s17 =	simm.s32 $0x100  }
0x10: {  	s23 =	sshrl.u32 @!p0 s11, $0x3;
	s7 =	sadd.s32 $0x4000, s6;
	s8 =	sadd.s32 $0x8000, s6  }
0x11: {  	s9 =	sadd.s32 $0xC000, s6;
	s10 =	sadd.s32 $0x10000, s6;
	s13 =	sadd.s32 $0x27000, s13  }
0x12: {  	s15 =	sadd.s32 $0x3000, s31;
	s16 =	sadd.s32 $0xCE00, s31;
	s22 =	sshrl.u32 s6, $0x3  }
.LBB2_1:
0x13: {  	[tilespmem:s17], [sflag:$0x2] =	stream.linear.gather [hbm4b:s5+s3], $0x4000, $0x38;
	[tilespmem:$0x179C0] =	vst v63  }
0x14: {  	_ =	swait.ge [sflag:s18], $0x4000  }
0x15: {  	[sflag:s18] =	ssyncset.done $0x0  }
0x16: {  	[sflag:s18] =	ssyncadd.s32 $0xFFFFC000  }
0x17: {  	[spmem:s6] =	stream.linear.scatter [tilespmem:s17], [sflag:$0x2], $0x4000, $0x38;
	[tilespmem:$0x179C0] =	vst v63  }
0x18: {  	_ =	swait.ge [sflag:s18], $0x4000  }
0x19: {  	[sflag:s18] =	ssyncset.done $0x0  }
0x1a: {  	[sflag:s18] =	ssyncadd.s32 $0xFFFFC000  }
0x1b: {  	[spmem:s7] =	stream.linear.scatter [tilespmem:s17], [sflag:$0x2], $0x4000, $0x38;
	[tilespmem:$0x179C0] =	vst v63  }
0x1c: {  	_ =	swait.ge [sflag:s18], $0x4000  }
0x1d: {  	[sflag:s18] =	ssyncset.done $0x0  }
0x1e: {  	[sflag:s18] =	ssyncadd.s32 $0xFFFFC000  }
0x1f: {  	[spmem:s8] =	stream.linear.scatter [tilespmem:s17], [sflag:$0x2], $0x4000, $0x38;
	[tilespmem:$0x179C0] =	vst v63  }
0x20: {  	_ =	swait.ge [sflag:s18], $0x4000  }
0x21: {  	[sflag:s18] =	ssyncset.done $0x0  }
0x22: {  	[sflag:s18] =	ssyncadd.s32 $0xFFFFC000  }
0x23: {  	[spmem:s9] =	stream.linear.scatter [tilespmem:s17], [sflag:$0x2], $0x4000, $0x38;
	[tilespmem:$0x179C0] =	vst v63  }
0x24: {  	_ =	swait.ge [sflag:s18], $0x4000  }
0x25: {  	[sflag:s18] =	ssyncset.done $0x0  }
0x26: {  	[sflag:s18] =	ssyncadd.s32 $0xFFFFC000  }
0x27: {  	[spmem:s10] =	stream.linear.scatter [tilespmem:s17], [sflag:$0x2], $0x3800, $0x38;
	[tilespmem:$0x179C0] =	vst v63  }
0x28: {  	_ =	swait.ge [sflag:s18], $0x3800  }
0x29: {  	[sflag:s18] =	ssyncset.done $0x0  }
0x2a: {  	s25 =	simm.s32 @!p0 $0x100;
	[sflag:s18] =	ssyncadd.s32 $0xFFFFC800  }
0x2b: {  	[spmem:s11] =	stream.linear.scatter @!p0 [tilespmem:s25], [sflag:$0x2], $0x800, $0x38;
	[tilespmem:$0x179C0] =	vst v63  }
0x2c: {  	s25 =	simm.s32 @!p0 $0x2  }
0x2d: {  	_ =	swait.ge @!p0 [sflag:s25], $0x800  }
0x2e: {  	[sflag:s25] =	ssyncset.done @!p0 $0x0  }
0x2f: {  	[sflag:s25] =	ssyncadd.s32 @!p0 $0xFFFFF800  }
0x30: {  	s30 =	sadd.s32 $0x0, s16;
	[bflag:$0x0] =	sbarrier.arrive $0xFFFF  }
0x31: {  	[tilespmem:s3], [sflag:$0x2] =	stream.linear.gather [hbm4b:s30+s3], $0x80, $0x38;
	[tilespmem:$0x179C0] =	vst v63  }
0x32: {  	_ =	swait.ge [sflag:s18], $0x80  }
0x33: {  	[sflag:s18] =	ssyncset.done $0x0  }
0x34: {  	s31 =	sadd.s32 $0x0, s15;
	[sflag:s18] =	ssyncadd.s32 $0xFFFFFF80  }
0x35: {  	[tilespmem:s19], [sflag:$0x2] =	stream.linear.gather [hbm4b:s31+s3], $0x80, $0x38;
	[tilespmem:$0x179C0] =	vst v63  }
0x36: {  	_ =	swait.ge [sflag:s18], $0x80  }
0x37: {  	[sflag:s18] =	ssyncset.done $0x0  }
0x38: {  	[sflag:s18] =	ssyncadd.s32 $0xFFFFFF80  }
0x39: {  	[tilespmem:s17], [sflag:$0x1] =	stream.indirect.gather [hbm4b:s1+s19], $0x80, s3, s19, $0xb8;
	[tilespmem:$0x179C0] =	vst v63  }
0x3a: {  	_ =	swait.ge [sflag:s20], $0x4000  }
0x3b: {  	[sflag:s20] =	ssyncset.done $0x0  }
0x3c: {  	[sflag:s20] =	ssyncadd.s32 $0xFFFFC000  }
0x3d: {  	[spmem:s2] =	stream.indirect.scatter.add.f32 [tilespmem:s17], [sflag:$0x2], $0x80, s19, s19, $0xb8;
	[tilespmem:$0x179C0] =	vst v63  }
0x3e: {  	_ =	swait.ge [sflag:s18], $0x4000  }
0x3f: {  	s26 =	simm.s32 $0x20;
	s25 =	simm.s32 $0x10;
	[sflag:s18] =	ssyncset.done $0x0  }
.LBB2_2:
0x40: {  	s28 =	sadd.s32 s25, s16  }
0x41: {  	[sflag:s18] =	ssyncadd.s32 $0xFFFFC000;
	s29 =	smov.u32 s26;
	s30 =	sadd.s32 $0x10, s26  }
0x42: {  	[tilespmem:s3], [sflag:$0x2] =	stream.linear.gather [hbm4b:s28+s3], $0x80, $0x38;
	[tilespmem:$0x179C0] =	vst v63  }
0x43: {  	p1 =	sne.s32 s26, $0x4E0;
	_ =	swait.ge [sflag:s18], $0x80  }
0x44: {  	[sflag:s18] =	ssyncset.done $0x0  }
0x45: {  	s26 =	sadd.s32 s25, s15;
	s25 =	smov.u32 s29;
	[sflag:s18] =	ssyncadd.s32 $0xFFFFFF80  }
0x46: {  	[tilespmem:s19], [sflag:$0x2] =	stream.linear.gather [hbm4b:s26+s3], $0x80, $0x38;
	[tilespmem:$0x179C0] =	vst v63  }
0x47: {  	_ =	swait.ge [sflag:s18], $0x80  }
0x48: {  	[sflag:s18] =	ssyncset.done $0x0  }
0x49: {  	[sflag:s18] =	ssyncadd.s32 $0xFFFFFF80  }
0x4a: {  	[tilespmem:s17], [sflag:$0x1] =	stream.indirect.gather [hbm4b:s1+s19], $0x80, s3, s19, $0xb8;
	[tilespmem:$0x179C0] =	vst v63  }
0x4b: {  	_ =	swait.ge [sflag:s20], $0x4000  }
.Ltmp0:
0x4c: {  	[sflag:s20] =	ssyncset.done $0x0;
	(pc) =	sbr.rel @p1 .LBB2_2-.Ltmp0, $4  }
0x4d: {  	[sflag:s20] =	ssyncadd.s32 $0xFFFFC000  }
0x4e: {  	[spmem:s2] =	stream.indirect.scatter.add.f32 [tilespmem:s17], [sflag:$0x2], $0x80, s19, s19, $0xb8;
	[tilespmem:$0x179C0] =	vst v63  }
0x4f: {  	_ =	swait.ge [sflag:s18], $0x4000  }
0x50: {  	s26 =	smov.u32 s30;
	[sflag:s18] =	ssyncset.done $0x0  }
0x51: {  	s26 =	sadd.s32 s25, s16;
	[sflag:s18] =	ssyncadd.s32 $0xFFFFC000  }
0x52: {  	[tilespmem:s3], [sflag:$0x2] =	stream.linear.gather [hbm4b:s26+s3], $0x80, $0x38;
	[tilespmem:$0x179C0] =	vst v63  }
0x53: {  	_ =	swait.ge [sflag:s18], $0x80  }
0x54: {  	[sflag:s18] =	ssyncset.done $0x0  }
0x55: {  	s31 =	sadd.s32 s25, s15;
	[sflag:s18] =	ssyncadd.s32 $0xFFFFFF80  }
0x56: {  	[tilespmem:s19], [sflag:$0x2] =	stream.linear.gather [hbm4b:s31+s3], $0x80, $0x38;
	[tilespmem:$0x179C0] =	vst v63  }
0x57: {  	_ =	swait.ge [sflag:s18], $0x80  }
0x58: {  	[sflag:s18] =	ssyncset.done $0x0  }
0x59: {  	[sflag:s18] =	ssyncadd.s32 $0xFFFFFF80  }
0x5a: {  	[tilespmem:s17], [sflag:$0x1] =	stream.indirect.gather [hbm4b:s1+s19], $0x80, s3, s19, $0xb8;
	[tilespmem:$0x179C0] =	vst v63  }
0x5b: {  	_ =	swait.ge [sflag:s20], $0x4000  }
0x5c: {  	[sflag:s20] =	ssyncset.done $0x0  }
0x5d: {  	[sflag:s20] =	ssyncadd.s32 $0xFFFFC000  }
0x5e: {  	[spmem:s2] =	stream.indirect.scatter.add.f32 [tilespmem:s17], [sflag:$0x2], $0x80, s19, s19, $0xb8;
	[tilespmem:$0x179C0] =	vst v63  }
0x5f: {  	_ =	swait.ge [sflag:s18], $0x4000  }
0x60: {  	[sflag:s18] =	ssyncset.done $0x0  }
0x61: {  	[sflag:s18] =	ssyncadd.s32 $0xFFFFC000  }
0x62: {  	[bflag:$0x0] =	sbarrier.arrive $0xFFFF  }
0x63: {  	[hbm:s12], [sflag:s21] =	dma.local [spmem:s22], $0x2700  }
0x64: {  	s24 =	sadd.s32 $0x1, s24;
	_ =	swait.ge [sflag:s18], $0x2700  }
0x65: {  	p1 =	sne.s32 s24, s14;
	[sflag:s18] =	ssyncset.done $0x0  }
.Ltmp1:
0x66: {  	s25 =	simm.s32 @!p0 $0x2;
	[sflag:s18] =	ssyncadd.s32 $0xFFFFD900;
	(pc) =	sbr.rel @p1 .LBB2_1-.Ltmp1, $4  }
0x67: {  	[hbm:s13], [sflag:s21] =	dma.local @!p0 [spmem:s23], $0x100  }
0x68: {  	_ =	swait.ge @!p0 [sflag:s25], $0x100  }
0x69: {  	[sflag:s25] =	ssyncset.done @!p0 $0x0  }
0x6a: {  	[sflag:s25] =	ssyncadd.s32 @!p0 $0xFFFFFF00  }
0x6b: {  	_ =	sfence.sel $0x180000  }
0x6c: {  	[bflag:$0x0] =	sbarrier.arrive $0xFFFF  }
0x6d: {  	p0 =	sne.s32 s4, $0x0;
	_ =	strace $0x90000047  }
0x6e: {  	s0 =	sadd.s32 @!p0 $0x100000, s0;
	[bflag:$0x2] =	sbarrier.arrive $0xFFFF  }
0x6f: {  	[sflag:s0] =	ssyncadd.tile.s32 @!p0 $0x1;
	_ =	shalt  }
.Lfunc_end2:
_tile_overlayer_lowered:
.L_overlay_start_2:
0x70: {  	(tag) =	ssettag $0x2  }
0x71: {  	s0 =	rddreg [dreg:$0x0];
	s2 =	stileid.u32  }
0x72: {  	s1 =	rddreg [dreg:$0x1];
	p0 =	sne.s32 s2, $0x0  }
0x73: {  	s3 =	rddreg [dreg:$0x2];
	[bflag:$0x3] =	sbarrier.arrive $0xFFFF;
	s2 =	simm.s32 @!p0 $0x1C02  }
0x74: {  	[timem:s3], [sflag:s2] =	dma.local @!p0 [hbm:s0], s1  }
0x75: {  	s0 =	simm.s32 @!p0 $0x2  }
0x76: {  	_ =	swait.ge @!p0 [sflag:s0], s1  }
0x77: {  	s1 =	ssub.s32 @!p0 $0x0, s1;
	[sflag:s0] =	ssyncset.done @!p0 $0x0  }
0x78: {  	[sflag:s0] =	ssyncadd.s32 @!p0 s1  }
0x79: {  	[bflag:$0x3] =	sbarrier.arrive $0xFFFF  }
0x7a: {  	_ =	shalt  }

// kernel: kernel.15.cloned.1.call-start
scs
__scs_entry_jumppad:
0x0: {  	(pc) =	sbr.rel $0x88, $3  }
0x1: {  	(tag) =	ssettag $0x0;
	lr =	simm.s32 $0x1  }
0x2: {  	[smem:$0x3F96] =	sst lr;
	_ =	strace $0xD0000000  }
0x3: {  	_ = 	snop  }
0x4: {  	_ = 	snop  }
0x5: {  	_ = 	snop  }
0x6: {  	_ = 	snop  }
0x7: {  	_ = 	snop  }
__scs_overlays_trampoline_lowered:
0x8: {  	[smem:$0x3FA5] =	sst s0  }
0x9: {  	[smem:$0x3FA6] =	sst s1  }
0xa: {  	[smem:$0x3FA7] =	sst s2  }
0xb: {  	[smem:$0x3FA8] =	sst s3  }
0xc: {  	[smem:$0x3FA9] =	sst s4  }
0xd: {  	[smem:$0x3FAA] =	sst s5  }
0xe: {  	[smem:$0x3FAB] =	sst s6  }
0xf: {  	[smem:$0x3FAC] =	sst s7  }
0x10: {  	[smem:$0x3FAD] =	sst s8  }
0x11: {  	[smem:$0x3FAE] =	sst s9;
	s0 =	simm.s32 @!p0 $0x0  }
0x12: {  	s1 =	sld [smem:$0x3F94];
	s0 =	simm.s32 @p0 $0x1  }
0x13: {  	[smem:$0x3FAF] =	sst s0;
	s0 =	simm.s32 @!p1 $0x0  }
0x14: {  	s2 =	sld [smem:$0x3F93];
	s0 =	simm.s32 @p1 $0x1  }
0x15: {  	[smem:$0x3FB0] =	sst s0;
	s0 =	simm.s32 @!p2 $0x0  }
0x16: {  	s3 =	sld [smem:$0x3FDB];
	s0 =	simm.s32 @p2 $0x1  }
0x17: {  	s4 =	simm.s32 $0x1BF5;
	[smem:$0x3FB2] =	sst s0  }
0x18: {  	s0 =	sld [smem:$0x3F95];
	_ =	swait.ge [sflag:s4], $0x0  }
0x19: {  	s7 =	sld [smem:$0x3F96]  }
0x1a: {  	s8 =	sadd.s32 $0xFFFFE003, lr  }
0x1b: {  	s9 =	sadd.s32 $0xFFFFFEF7, lr;
	s5 =	simm.s32 $0xFFFFFFFF;
	p2 =	slt.u32 s8, $0xFFFFF086  }
0x1c: {  	p1 =	slt.u32 s9, $0xF7A;
	s5 =	simm.s32 @!p2 $0x0  }
0x1d: {  	s5 =	simm.s32 @p1 $0x1;
	p0 =	seq.s32 s7, s2  }
0x1e: {  	s7 =	smul.u32 @!p0 $0xF7A, s2;
	p2 =	seq.s32 @!p0 s5, $0x0  }
0x1f: {  	s9 =	smul.u32 $0xF7A, s1;
	s8 =	simm.s32 @!p0 $0x1BF5;
	p2 =	por !p2, p0  }
0x20: {  	[sflag:s8] =	ssyncset.s32 @!p0 $0xFFFFF086;
	s6 =	sadd.s32 @!p0 s3, s7;
	s7 =	simm.s32 @!p0 $0x108  }
0x21: {  	s3 =	sadd.s32 s3, s9;
	s6 =	sadd.s32 @!p0 $0x88, s6;
	s7 =	simm.s32 @p2 $0x1082  }
0x22: {  	[simem:s7], [sflag:s8] =	dma.local @!p0 [hbm:s6], $0xF7A  }
0x23: {  	s9 =	sor.u32 $0xD0000000, s2;
	s6 =	simm.s32 $0x108;
	_ =	swait.ge @!p0 [sflag:s8], $0x0  }
0x24: {  	s3 =	sadd.s32 $0x88, s3;
	s6 =	simm.s32 @!p1 $0x1082;
	[sflag:s4] =	ssyncset.s32 $0xFFFFF086  }
0x25: {  	[simem:s6], [sflag:s4] =	dma.local [hbm:s3], $0xF7A  }
0x26: {  	[smem:$0x3F96] =	sst s1;
	(tag) =	ssettag s2;
	_ =	strace s9  }
0x27: {  	s1 =	sld [smem:$0x3FA6]  }
0x28: {  	s2 =	sld [smem:$0x3FA7]  }
0x29: {  	s4 =	sld [smem:$0x3FA9]  }
0x2a: {  	p0 =	seq.s32 s5, $0x0;
	s5 =	sld [smem:$0x3FAA]  }
0x2b: {  	s6 =	sld [smem:$0x3FAB]  }
0x2c: {  	s7 =	sld [smem:$0x3FAC]  }
0x2d: {  	s3 =	simm.s32 $0x108;
	s8 =	sld [smem:$0x3FAD]  }
0x2e: {  	s3 =	simm.s32 @!p0 $0x1082;
	s9 =	sld [smem:$0x3FAE]  }
0x2f: {  	lr =	sadd.s32 s0, s3;
	s0 =	sld [smem:$0x3FA5]  }
0x30: {  	s3 =	sld [smem:$0x3FA8]  }
0x31: {  	[smem:$0x3FB1] =	sst s10  }
0x32: {  	s10 =	sld [smem:$0x3FAF];
	_ =	sdelay $0x3  }
0x33: {  	p0 =	seq.s32 s10, $0x1;
	s10 =	sld [smem:$0x3FB1];
	_ =	sdelay $0x3  }
0x34: {  	[smem:$0x3FB1] =	sst s10  }
0x35: {  	s10 =	sld [smem:$0x3FB0];
	_ =	sdelay $0x3  }
0x36: {  	p1 =	seq.s32 s10, $0x1;
	s10 =	sld [smem:$0x3FB1];
	_ =	sdelay $0x3  }
0x37: {  	[smem:$0x3FB1] =	sst s10  }
0x38: {  	s10 =	sld [smem:$0x3FB2]  }
0x39: {  	_ = 	snop;
	(pc) =	sbr.ind lr, $3  }
0x3a: {  	_ = 	snop  }
0x3b: {  	_ = 	snop  }
0x3c: {  	p2 =	seq.s32 s10, $0x1;
	s10 =	sld [smem:$0x3FB1]  }
0x3d: {  	_ =	shalt  }
0x3e: {  	_ =	shalt  }
0x3f: {  	_ =	shalt  }
0x40: {  	_ =	shalt  }
0x41: {  	_ =	shalt  }
0x42: {  	_ =	shalt  }
0x43: {  	_ =	shalt  }
0x44: {  	_ =	shalt  }
0x45: {  	_ =	shalt  }
0x46: {  	_ =	shalt  }
0x47: {  	_ =	shalt  }
0x48: {  	_ =	shalt  }
0x49: {  	_ =	shalt  }
0x4a: {  	_ =	shalt  }
0x4b: {  	_ =	shalt  }
0x4c: {  	_ =	shalt  }
0x4d: {  	_ =	shalt  }
0x4e: {  	_ =	shalt  }
0x4f: {  	_ =	shalt  }
0x50: {  	_ =	shalt  }
0x51: {  	_ =	shalt  }
0x52: {  	_ =	shalt  }
0x53: {  	_ =	shalt  }
0x54: {  	_ =	shalt  }
0x55: {  	_ =	shalt  }
0x56: {  	_ =	shalt  }
0x57: {  	_ =	shalt  }
0x58: {  	_ =	shalt  }
0x59: {  	_ =	shalt  }
0x5a: {  	_ =	shalt  }
0x5b: {  	_ =	shalt  }
0x5c: {  	_ =	shalt  }
0x5d: {  	_ =	shalt  }
0x5e: {  	_ =	shalt  }
0x5f: {  	_ =	shalt  }
0x60: {  	_ =	shalt  }
0x61: {  	_ =	shalt  }
0x62: {  	_ =	shalt  }
0x63: {  	_ =	shalt  }
0x64: {  	_ =	shalt  }
0x65: {  	_ =	shalt  }
0x66: {  	_ =	shalt  }
0x67: {  	_ =	shalt  }
0x68: {  	_ =	shalt  }
0x69: {  	_ =	shalt  }
0x6a: {  	_ =	shalt  }
0x6b: {  	_ =	shalt  }
0x6c: {  	_ =	shalt  }
0x6d: {  	_ =	shalt  }
0x6e: {  	_ =	shalt  }
0x6f: {  	_ =	shalt  }
0x70: {  	_ =	shalt  }
0x71: {  	_ =	shalt  }
0x72: {  	_ =	shalt  }
0x73: {  	_ =	shalt  }
0x74: {  	_ =	shalt  }
0x75: {  	_ =	shalt  }
0x76: {  	_ =	shalt  }
0x77: {  	_ =	shalt  }
0x78: {  	_ =	shalt  }
0x79: {  	_ =	shalt  }
0x7a: {  	_ =	shalt  }
0x7b: {  	_ =	shalt  }
0x7c: {  	_ =	shalt  }
0x7d: {  	_ =	shalt  }
0x7e: {  	_ =	shalt  }
0x7f: {  	_ =	shalt  }
0x80: {  	_ =	shalt  }
0x81: {  	_ =	shalt  }
0x82: {  	_ =	shalt  }
0x83: {  	_ =	shalt  }
0x84: {  	_ =	shalt  }
0x85: {  	_ =	shalt  }
0x86: {  	_ =	shalt  }
0x87: {  	_ =	shalt  }
.Lfunc_end0:
.L_simem_size_0:
called_computation.2_lowered:
.L_overlay_start_0:
0x88: {  	s2 =	sld [smem:$0x3FD9]  }
0x89: {  	s3 =	sld [smem:$0x3FFE];
	_ =	sdelay $0x1  }
0x8a: {  	s1 =	srdreg.scid  }
0x8b: {  	s0 =	sand.u32 $0x1, s1  }
0x8c: {  	s17 =	sshll.u32 s0, $0xA;
	s2 =	sadd.s32 s3, s2  }
0x8d: {  	s2 =	sadd.s32 s2, s17  }
0x8e: {  	[smem:$0x3FBD] =	sst s2  }
0x8f: {  	_ = 	snop  }
0x90: {  	s2 =	sld [smem:$0x3FD0];
	(tm) =	ssettm $0x1  }
0x91: {  	s18 =	sld [smem:$0x3FFB];
	_ =	sdelay $0x3  }
0x92: {  	_ =	strace s18  }
0x93: {  	s3 =	sld [smem:$0x3FFC];
	_ =	sdelay $0x3  }
0x94: {  	_ =	strace s3  }
0x95: {  	s3 =	sld [smem:$0x3FFD];
	_ =	sdelay $0x3  }
0x96: {  	_ =	strace s3  }
0x97: {  	_ =	strace $0x8FFFFFFF  }
0x98: {  	s19 =	sld [smem:$0x3FDB];
	_ =	sdelay $0x1  }
0x99: {  	s4 =	simm.s32 $_scs_section_size  }
0x9a: {  	s5 =	simm.s32 $_size__tile_overlayer_lowered;
	s6 =	simm.s32 $_tile_overlayer_lowered  }
0x9b: {  	s22 =	simm.s32 $0x1BFF;
	s21 =	sshll.u32 s6, $0x1;
	s3 =	sadd.s32 s4, s19  }
0x9c: {  	s7 =	simm.s32 $0x0;
	s20 =	sshll.u32 s5, $0x1;
	s5 =	sadd.s32 s21, s3  }
0x9d: {  	[timem:s7], [sflag:s22] =	dma.local [hbm:s5], s20  }
0x9e: {  	_ =	swait.ge [sflag:s22], s20  }
0x9f: {  	s4 =	ssub.s32 $0x0, s20;
	[sflag:s22] =	ssyncset.done $0x0  }
0xa0: {  	[sflag:s22] =	ssyncadd.s32 s4;
	_ =	sdelay $0x1  }
0xa1: {  	s23 =	simm.s32 $0x1B8B  }
0xa2: {  	_ =	swait.ge [sflag:s23], $0x1  }
0xa3: {  	[sflag:s23] =	ssyncset.done $0x0  }
0xa4: {  	s25 =	simm.s32 $0x1B8E;
	s24 =	sld [smem:$0x3FFE];
	[sflag:s23] =	ssyncadd.s32 $0xFFFFFFFF  }
0xa5: {  	s26 =	simm.s32 $execute0_lowered;
	[smem:$0x3FD2] =	sst s25  }
0xa6: {  	s5 =	sshll.u32 s26, $0x1;
	_ =	strace $0x8000004C;
	[dreg:$0x1] =	wrdreg $0xFFFFFFFF  }
0xa7: {  	s28 =	simm.s32 $_size_execute0_lowered;
	s3 =	sadd.s32 s3, s5;
	[dreg:$0x0] =	wrdreg $0x0  }
0xa8: {  	s5 =	sshll.u32 s28, $0x1;
	[dreg:$0x2] =	wrdreg s3  }
0xa9: {  	[dreg:$0x3] =	wrdreg s5  }
0xaa: {  	[dreg:$0x4] =	wrdreg $0xC0  }
0xab: {  	_ =	task [dreg:s7], $0x5FFFF  }
0xac: {  	[dreg:$0x1] =	wrdreg $0xFFFFFFFF  }
0xad: {  	[dreg:$0x0] =	wrdreg $0x60  }
0xae: {  	[dreg:$0x2] =	wrdreg s24  }
0xaf: {  	[dreg:$0x3] =	wrdreg s2  }
0xb0: {  	[dreg:$0x4] =	wrdreg $0x41000  }
0xb1: {  	[dreg:$0x5] =	wrdreg $0x9  }
0xb2: {  	_ =	task.clear_ibuf [dreg:s7], $0x6FFFF;
	_ =	strace $0x9000004C  }
0xb3: {  	s29 =	simm.s32 $0x9;
	_ =	strace $0x8000004E  }
0xb4: {  	_ =	swait.ge [sflag:s29], $0x1  }
0xb5: {  	[sflag:s29] =	ssyncadd.s32 $0xFFFFFFFF  }
0xb6: {  	_ =	strace $0x9000004E  }
0xb7: {  	_ =	sfence  }
0xb8: {  	s30 =	sld [smem:$0x0];
	_ =	sdelay $0x2  }
0xb9: {  	s31 =	sshll.u32 s1, $0xD;
	s1 =	sshrl.u32 s1, $0x2  }
0xba: {  	s3 =	sand.u32 $0x4000, s31;
	s1 =	sadd.s32 s1, s30  }
0xbb: {  	s0 =	sor.u32 s3, s0;
	s1 =	sshll.u32 s1, $0x11  }
0xbc: {  	s0 =	sor.u32 s1, s0  }
0xbd: {  	s0 =	sadd.s32 $0x8F2B, s0  }
0xbe: {  	[sflag:s0] =	ssyncadd.remote.s32 $0x1  }
0xbf: {  	_ =	sfence.sel $0xFFFF  }
0xc0: {  	[dreg:$0x0] =	wrdreg $0xFFFFFFFF;
	(pc) =	sbr.abs _section_cstart, $3  }
0xc1: {  	[dreg:$0x1] =	wrdreg $0xFFFFFFFF  }
0xc2: {  	_ =	task.clear_ibuf [dreg:s7], $0x2FFFF;
	_ =	strace $0x9FFFFFFF  }
0xc3: {  	(tm) =	ssettm $0x7FFFFFFF  }
tec
execute0_lowered:
.L_overlay_start_1:
0x0: {  	(tag) =	ssettag $0x1  }
0x1: {  	s6 =	rddreg [dreg:$0x0]  }
0x2: {  	s1 =	rddreg [dreg:$0x1]  }
0x3: {  	s2 =	rddreg [dreg:$0x2];
	s4 =	srdreg.scid  }
0x4: {  	s0 =	rddreg [dreg:$0x3];
	s8 =	sand.u32 $0x1, s4  }
0x5: {  	s3 =	simm.s32 $0x0;
	s4 =	stileid.u32;
	s5 =	smul.u32 $0x4F00, s8  }
0x6: {  	s18 =	simm.s32 $0x2;
	s19 =	simm.s32 $0x80;
	s7 =	smul.u32 $0x4E000, s4  }
0x7: {  	s20 =	simm.s32 $0x1;
	s24 =	simm.s32 $0x0;
	s11 =	smul.u32 $0x2700, s4  }
0x8: {  	[smem:$0x7FF] =	sst s3;
	s13 =	sadd.s32 $0x17400, s6;
	s12 =	smul.u32 $0x27100, s8  }
0x9: {  	_ =	strace $0x8000004D;
	s9 =	ssub.s32 $0x2, s8;
	s16 =	smul.u32 $0x138800, s8  }
0xa: {  	s17 =	smul.u32 $0x4F0, s4;
	p0 =	sne.s32 s4, $0xF;
	s21 =	sshll.u32 s4, $0x6  }
0xb: {  	s30 =	sshrl.u32 s9, $0x1;
	s21 =	sor.u32 $0x1C02, s21;
	s15 =	sadd.s32 s5, s6  }
0xc: {  	s5 =	sadd.s32 $0x16C00, s6;
	s29 =	sshrl.u32 s7, $0x2;
	s14 =	ssub.s32 s9, s30  }
0xd: {  	s12 =	sadd.s32 s11, s12;
	s16 =	sshrl.u32 s16, $0x3;
	s11 =	sadd.s32 $0x138000, s2  }
0xe: {  	s6 =	sadd.s32 s29, s2;
	s12 =	sadd.s32 s13, s12;
	s13 =	sadd.s32 s13, s16  }
0xf: {  	s14 =	smax.u32 s14, $0x1;
	s31 =	sadd.s32 s17, s15;
	s17 =	simm.s32 $0x100  }
0x10: {  	s23 =	sshrl.u32 @!p0 s11, $0x3;
	s7 =	sadd.s32 $0x4000, s6;
	s8 =	sadd.s32 $0x8000, s6  }
0x11: {  	s9 =	sadd.s32 $0xC000, s6;
	s10 =	sadd.s32 $0x10000, s6;
	s13 =	sadd.s32 $0x27000, s13  }
0x12: {  	s15 =	sadd.s32 $0x3000, s31;
	s16 =	sadd.s32 $0xCE00, s31;
	s22 =	sshrl.u32 s6, $0x3  }
.LBB2_1:
0x13: {  	[tilespmem:s17], [sflag:$0x2] =	stream.linear.gather [hbm4b:s5+s3], $0x4000, $0x38;
	[tilespmem:$0x179C0] =	vst v63  }
0x14: {  	_ =	swait.ge [sflag:s18], $0x4000  }
0x15: {  	[sflag:s18] =	ssyncset.done $0x0  }
0x16: {  	[sflag:s18] =	ssyncadd.s32 $0xFFFFC000  }
0x17: {  	[spmem:s6] =	stream.linear.scatter [tilespmem:s17], [sflag:$0x2], $0x4000, $0x38;
	[tilespmem:$0x179C0] =	vst v63  }
0x18: {  	_ =	swait.ge [sflag:s18], $0x4000  }
0x19: {  	[sflag:s18] =	ssyncset.done $0x0  }
0x1a: {  	[sflag:s18] =	ssyncadd.s32 $0xFFFFC000  }
0x1b: {  	[spmem:s7] =	stream.linear.scatter [tilespmem:s17], [sflag:$0x2], $0x4000, $0x38;
	[tilespmem:$0x179C0] =	vst v63  }
0x1c: {  	_ =	swait.ge [sflag:s18], $0x4000  }
0x1d: {  	[sflag:s18] =	ssyncset.done $0x0  }
0x1e: {  	[sflag:s18] =	ssyncadd.s32 $0xFFFFC000  }
0x1f: {  	[spmem:s8] =	stream.linear.scatter [tilespmem:s17], [sflag:$0x2], $0x4000, $0x38;
	[tilespmem:$0x179C0] =	vst v63  }
0x20: {  	_ =	swait.ge [sflag:s18], $0x4000  }
0x21: {  	[sflag:s18] =	ssyncset.done $0x0  }
0x22: {  	[sflag:s18] =	ssyncadd.s32 $0xFFFFC000  }
0x23: {  	[spmem:s9] =	stream.linear.scatter [tilespmem:s17], [sflag:$0x2], $0x4000, $0x38;
	[tilespmem:$0x179C0] =	vst v63  }
0x24: {  	_ =	swait.ge [sflag:s18], $0x4000  }
0x25: {  	[sflag:s18] =	ssyncset.done $0x0  }
0x26: {  	[sflag:s18] =	ssyncadd.s32 $0xFFFFC000  }
0x27: {  	[spmem:s10] =	stream.linear.scatter [tilespmem:s17], [sflag:$0x2], $0x3800, $0x38;
	[tilespmem:$0x179C0] =	vst v63  }
0x28: {  	_ =	swait.ge [sflag:s18], $0x3800  }
0x29: {  	[sflag:s18] =	ssyncset.done $0x0  }
0x2a: {  	s25 =	simm.s32 @!p0 $0x100;
	[sflag:s18] =	ssyncadd.s32 $0xFFFFC800  }
0x2b: {  	[spmem:s11] =	stream.linear.scatter @!p0 [tilespmem:s25], [sflag:$0x2], $0x800, $0x38;
	[tilespmem:$0x179C0] =	vst v63  }
0x2c: {  	s25 =	simm.s32 @!p0 $0x2  }
0x2d: {  	_ =	swait.ge @!p0 [sflag:s25], $0x800  }
0x2e: {  	[sflag:s25] =	ssyncset.done @!p0 $0x0  }
0x2f: {  	[sflag:s25] =	ssyncadd.s32 @!p0 $0xFFFFF800  }
0x30: {  	s30 =	sadd.s32 $0x0, s16;
	[bflag:$0x0] =	sbarrier.arrive $0xFFFF  }
0x31: {  	[tilespmem:s3], [sflag:$0x2] =	stream.linear.gather [hbm4b:s30+s3], $0x80, $0x38;
	[tilespmem:$0x179C0] =	vst v63  }
0x32: {  	_ =	swait.ge [sflag:s18], $0x80  }
0x33: {  	[sflag:s18] =	ssyncset.done $0x0  }
0x34: {  	s31 =	sadd.s32 $0x0, s15;
	[sflag:s18] =	ssyncadd.s32 $0xFFFFFF80  }
0x35: {  	[tilespmem:s19], [sflag:$0x2] =	stream.linear.gather [hbm4b:s31+s3], $0x80, $0x38;
	[tilespmem:$0x179C0] =	vst v63  }
0x36: {  	_ =	swait.ge [sflag:s18], $0x80  }
0x37: {  	[sflag:s18] =	ssyncset.done $0x0  }
0x38: {  	[sflag:s18] =	ssyncadd.s32 $0xFFFFFF80  }
0x39: {  	[tilespmem:s17], [sflag:$0x1] =	stream.indirect.gather [hbm4b:s1+s19], $0x80, s3, s19, $0xb8;
	[tilespmem:$0x179C0] =	vst v63  }
0x3a: {  	_ =	swait.ge [sflag:s20], $0x4000  }
0x3b: {  	[sflag:s20] =	ssyncset.done $0x0  }
0x3c: {  	[sflag:s20] =	ssyncadd.s32 $0xFFFFC000  }
0x3d: {  	[spmem:s2] =	stream.indirect.scatter.add.f32 [tilespmem:s17], [sflag:$0x2], $0x80, s19, s19, $0xb8;
	[tilespmem:$0x179C0] =	vst v63  }
0x3e: {  	_ =	swait.ge [sflag:s18], $0x4000  }
0x3f: {  	s26 =	simm.s32 $0x20;
	s25 =	simm.s32 $0x10;
	[sflag:s18] =	ssyncset.done $0x0  }
.LBB2_2:
0x40: {  	s28 =	sadd.s32 s25, s16  }
0x41: {  	[sflag:s18] =	ssyncadd.s32 $0xFFFFC000;
	s29 =	smov.u32 s26;
	s30 =	sadd.s32 $0x10, s26  }
0x42: {  	[tilespmem:s3], [sflag:$0x2] =	stream.linear.gather [hbm4b:s28+s3], $0x80, $0x38;
	[tilespmem:$0x179C0] =	vst v63  }
0x43: {  	p1 =	sne.s32 s26, $0x4E0;
	_ =	swait.ge [sflag:s18], $0x80  }
0x44: {  	[sflag:s18] =	ssyncset.done $0x0  }
0x45: {  	s26 =	sadd.s32 s25, s15;
	s25 =	smov.u32 s29;
	[sflag:s18] =	ssyncadd.s32 $0xFFFFFF80  }
0x46: {  	[tilespmem:s19], [sflag:$0x2] =	stream.linear.gather [hbm4b:s26+s3], $0x80, $0x38;
	[tilespmem:$0x179C0] =	vst v63  }
0x47: {  	_ =	swait.ge [sflag:s18], $0x80  }
0x48: {  	[sflag:s18] =	ssyncset.done $0x0  }
0x49: {  	[sflag:s18] =	ssyncadd.s32 $0xFFFFFF80  }
0x4a: {  	[tilespmem:s17], [sflag:$0x1] =	stream.indirect.gather [hbm4b:s1+s19], $0x80, s3, s19, $0xb8;
	[tilespmem:$0x179C0] =	vst v63  }
0x4b: {  	_ =	swait.ge [sflag:s20], $0x4000  }
.Ltmp0:
0x4c: {  	[sflag:s20] =	ssyncset.done $0x0;
	(pc) =	sbr.rel @p1 .LBB2_2-.Ltmp0, $4  }
0x4d: {  	[sflag:s20] =	ssyncadd.s32 $0xFFFFC000  }
0x4e: {  	[spmem:s2] =	stream.indirect.scatter.add.f32 [tilespmem:s17], [sflag:$0x2], $0x80, s19, s19, $0xb8;
	[tilespmem:$0x179C0] =	vst v63  }
0x4f: {  	_ =	swait.ge [sflag:s18], $0x4000  }
0x50: {  	s26 =	smov.u32 s30;
	[sflag:s18] =	ssyncset.done $0x0  }
0x51: {  	s26 =	sadd.s32 s25, s16;
	[sflag:s18] =	ssyncadd.s32 $0xFFFFC000  }
0x52: {  	[tilespmem:s3], [sflag:$0x2] =	stream.linear.gather [hbm4b:s26+s3], $0x80, $0x38;
	[tilespmem:$0x179C0] =	vst v63  }
0x53: {  	_ =	swait.ge [sflag:s18], $0x80  }
0x54: {  	[sflag:s18] =	ssyncset.done $0x0  }
0x55: {  	s31 =	sadd.s32 s25, s15;
	[sflag:s18] =	ssyncadd.s32 $0xFFFFFF80  }
0x56: {  	[tilespmem:s19], [sflag:$0x2] =	stream.linear.gather [hbm4b:s31+s3], $0x80, $0x38;
	[tilespmem:$0x179C0] =	vst v63  }
0x57: {  	_ =	swait.ge [sflag:s18], $0x80  }
0x58: {  	[sflag:s18] =	ssyncset.done $0x0  }
0x59: {  	[sflag:s18] =	ssyncadd.s32 $0xFFFFFF80  }
0x5a: {  	[tilespmem:s17], [sflag:$0x1] =	stream.indirect.gather [hbm4b:s1+s19], $0x80, s3, s19, $0xb8;
	[tilespmem:$0x179C0] =	vst v63  }
0x5b: {  	_ =	swait.ge [sflag:s20], $0x4000  }
0x5c: {  	[sflag:s20] =	ssyncset.done $0x0  }
0x5d: {  	[sflag:s20] =	ssyncadd.s32 $0xFFFFC000  }
0x5e: {  	[spmem:s2] =	stream.indirect.scatter.add.f32 [tilespmem:s17], [sflag:$0x2], $0x80, s19, s19, $0xb8;
	[tilespmem:$0x179C0] =	vst v63  }
0x5f: {  	_ =	swait.ge [sflag:s18], $0x4000  }
0x60: {  	[sflag:s18] =	ssyncset.done $0x0  }
0x61: {  	[sflag:s18] =	ssyncadd.s32 $0xFFFFC000  }
0x62: {  	[bflag:$0x0] =	sbarrier.arrive $0xFFFF  }
0x63: {  	[hbm:s12], [sflag:s21] =	dma.local [spmem:s22], $0x2700  }
0x64: {  	s24 =	sadd.s32 $0x1, s24;
	_ =	swait.ge [sflag:s18], $0x2700  }
0x65: {  	p1 =	sne.s32 s24, s14;
	[sflag:s18] =	ssyncset.done $0x0  }
.Ltmp1:
0x66: {  	s25 =	simm.s32 @!p0 $0x2;
	[sflag:s18] =	ssyncadd.s32 $0xFFFFD900;
	(pc) =	sbr.rel @p1 .LBB2_1-.Ltmp1, $4  }
0x67: {  	[hbm:s13], [sflag:s21] =	dma.local @!p0 [spmem:s23], $0x100  }
0x68: {  	_ =	swait.ge @!p0 [sflag:s25], $0x100  }
0x69: {  	[sflag:s25] =	ssyncset.done @!p0 $0x0  }
0x6a: {  	[sflag:s25] =	ssyncadd.s32 @!p0 $0xFFFFFF00  }
0x6b: {  	_ =	sfence.sel $0x180000  }
0x6c: {  	[bflag:$0x0] =	sbarrier.arrive $0xFFFF  }
0x6d: {  	p0 =	sne.s32 s4, $0x0;
	_ =	strace $0x9000004D  }
0x6e: {  	s0 =	sadd.s32 @!p0 $0x100000, s0;
	[bflag:$0x2] =	sbarrier.arrive $0xFFFF  }
0x6f: {  	[sflag:s0] =	ssyncadd.tile.s32 @!p0 $0x1;
	_ =	shalt  }
.Lfunc_end2:
_tile_overlayer_lowered:
.L_overlay_start_2:
0x70: {  	(tag) =	ssettag $0x2  }
0x71: {  	s0 =	rddreg [dreg:$0x0];
	s2 =	stileid.u32  }
0x72: {  	s1 =	rddreg [dreg:$0x1];
	p0 =	sne.s32 s2, $0x0  }
0x73: {  	s3 =	rddreg [dreg:$0x2];
	[bflag:$0x3] =	sbarrier.arrive $0xFFFF;
	s2 =	simm.s32 @!p0 $0x1C02  }
0x74: {  	[timem:s3], [sflag:s2] =	dma.local @!p0 [hbm:s0], s1  }
0x75: {  	s0 =	simm.s32 @!p0 $0x2  }
0x76: {  	_ =	swait.ge @!p0 [sflag:s0], s1  }
0x77: {  	s1 =	ssub.s32 @!p0 $0x0, s1;
	[sflag:s0] =	ssyncset.done @!p0 $0x0  }
0x78: {  	[sflag:s0] =	ssyncadd.s32 @!p0 s1  }
0x79: {  	[bflag:$0x3] =	sbarrier.arrive $0xFFFF  }
0x7a: {  	_ =	shalt  }

// kernel: kernel.18.cloned.1.call-start
scs
__scs_entry_jumppad:
0x0: {  	(pc) =	sbr.rel $0x88, $3  }
0x1: {  	(tag) =	ssettag $0x0;
	lr =	simm.s32 $0x1  }
0x2: {  	[smem:$0x3F96] =	sst lr;
	_ =	strace $0xD0000000  }
0x3: {  	_ = 	snop  }
0x4: {  	_ = 	snop  }
0x5: {  	_ = 	snop  }
0x6: {  	_ = 	snop  }
0x7: {  	_ = 	snop  }
__scs_overlays_trampoline_lowered:
0x8: {  	[smem:$0x3FA5] =	sst s0  }
0x9: {  	[smem:$0x3FA6] =	sst s1  }
0xa: {  	[smem:$0x3FA7] =	sst s2  }
0xb: {  	[smem:$0x3FA8] =	sst s3  }
0xc: {  	[smem:$0x3FA9] =	sst s4  }
0xd: {  	[smem:$0x3FAA] =	sst s5  }
0xe: {  	[smem:$0x3FAB] =	sst s6  }
0xf: {  	[smem:$0x3FAC] =	sst s7  }
0x10: {  	[smem:$0x3FAD] =	sst s8  }
0x11: {  	[smem:$0x3FAE] =	sst s9;
	s0 =	simm.s32 @!p0 $0x0  }
0x12: {  	s1 =	sld [smem:$0x3F94];
	s0 =	simm.s32 @p0 $0x1  }
0x13: {  	[smem:$0x3FAF] =	sst s0;
	s0 =	simm.s32 @!p1 $0x0  }
0x14: {  	s2 =	sld [smem:$0x3F93];
	s0 =	simm.s32 @p1 $0x1  }
0x15: {  	[smem:$0x3FB0] =	sst s0;
	s0 =	simm.s32 @!p2 $0x0  }
0x16: {  	s3 =	sld [smem:$0x3FDB];
	s0 =	simm.s32 @p2 $0x1  }
0x17: {  	s4 =	simm.s32 $0x1BF5;
	[smem:$0x3FB2] =	sst s0  }
0x18: {  	s0 =	sld [smem:$0x3F95];
	_ =	swait.ge [sflag:s4], $0x0  }
0x19: {  	s7 =	sld [smem:$0x3F96]  }
0x1a: {  	s8 =	sadd.s32 $0xFFFFE003, lr  }
0x1b: {  	s9 =	sadd.s32 $0xFFFFFEF7, lr;
	s5 =	simm.s32 $0xFFFFFFFF;
	p2 =	slt.u32 s8, $0xFFFFF086  }
0x1c: {  	p1 =	slt.u32 s9, $0xF7A;
	s5 =	simm.s32 @!p2 $0x0  }
0x1d: {  	s5 =	simm.s32 @p1 $0x1;
	p0 =	seq.s32 s7, s2  }
0x1e: {  	s7 =	smul.u32 @!p0 $0xF7A, s2;
	p2 =	seq.s32 @!p0 s5, $0x0  }
0x1f: {  	s9 =	smul.u32 $0xF7A, s1;
	s8 =	simm.s32 @!p0 $0x1BF5;
	p2 =	por !p2, p0  }
0x20: {  	[sflag:s8] =	ssyncset.s32 @!p0 $0xFFFFF086;
	s6 =	sadd.s32 @!p0 s3, s7;
	s7 =	simm.s32 @!p0 $0x108  }
0x21: {  	s3 =	sadd.s32 s3, s9;
	s6 =	sadd.s32 @!p0 $0x88, s6;
	s7 =	simm.s32 @p2 $0x1082  }
0x22: {  	[simem:s7], [sflag:s8] =	dma.local @!p0 [hbm:s6], $0xF7A  }
0x23: {  	s9 =	sor.u32 $0xD0000000, s2;
	s6 =	simm.s32 $0x108;
	_ =	swait.ge @!p0 [sflag:s8], $0x0  }
0x24: {  	s3 =	sadd.s32 $0x88, s3;
	s6 =	simm.s32 @!p1 $0x1082;
	[sflag:s4] =	ssyncset.s32 $0xFFFFF086  }
0x25: {  	[simem:s6], [sflag:s4] =	dma.local [hbm:s3], $0xF7A  }
0x26: {  	[smem:$0x3F96] =	sst s1;
	(tag) =	ssettag s2;
	_ =	strace s9  }
0x27: {  	s1 =	sld [smem:$0x3FA6]  }
0x28: {  	s2 =	sld [smem:$0x3FA7]  }
0x29: {  	s4 =	sld [smem:$0x3FA9]  }
0x2a: {  	p0 =	seq.s32 s5, $0x0;
	s5 =	sld [smem:$0x3FAA]  }
0x2b: {  	s6 =	sld [smem:$0x3FAB]  }
0x2c: {  	s7 =	sld [smem:$0x3FAC]  }
0x2d: {  	s3 =	simm.s32 $0x108;
	s8 =	sld [smem:$0x3FAD]  }
0x2e: {  	s3 =	simm.s32 @!p0 $0x1082;
	s9 =	sld [smem:$0x3FAE]  }
0x2f: {  	lr =	sadd.s32 s0, s3;
	s0 =	sld [smem:$0x3FA5]  }
0x30: {  	s3 =	sld [smem:$0x3FA8]  }
0x31: {  	[smem:$0x3FB1] =	sst s10  }
0x32: {  	s10 =	sld [smem:$0x3FAF];
	_ =	sdelay $0x3  }
0x33: {  	p0 =	seq.s32 s10, $0x1;
	s10 =	sld [smem:$0x3FB1];
	_ =	sdelay $0x3  }
0x34: {  	[smem:$0x3FB1] =	sst s10  }
0x35: {  	s10 =	sld [smem:$0x3FB0];
	_ =	sdelay $0x3  }
0x36: {  	p1 =	seq.s32 s10, $0x1;
	s10 =	sld [smem:$0x3FB1];
	_ =	sdelay $0x3  }
0x37: {  	[smem:$0x3FB1] =	sst s10  }
0x38: {  	s10 =	sld [smem:$0x3FB2]  }
0x39: {  	_ = 	snop;
	(pc) =	sbr.ind lr, $3  }
0x3a: {  	_ = 	snop  }
0x3b: {  	_ = 	snop  }
0x3c: {  	p2 =	seq.s32 s10, $0x1;
	s10 =	sld [smem:$0x3FB1]  }
0x3d: {  	_ =	shalt  }
0x3e: {  	_ =	shalt  }
0x3f: {  	_ =	shalt  }
0x40: {  	_ =	shalt  }
0x41: {  	_ =	shalt  }
0x42: {  	_ =	shalt  }
0x43: {  	_ =	shalt  }
0x44: {  	_ =	shalt  }
0x45: {  	_ =	shalt  }
0x46: {  	_ =	shalt  }
0x47: {  	_ =	shalt  }
0x48: {  	_ =	shalt  }
0x49: {  	_ =	shalt  }
0x4a: {  	_ =	shalt  }
0x4b: {  	_ =	shalt  }
0x4c: {  	_ =	shalt  }
0x4d: {  	_ =	shalt  }
0x4e: {  	_ =	shalt  }
0x4f: {  	_ =	shalt  }
0x50: {  	_ =	shalt  }
0x51: {  	_ =	shalt  }
0x52: {  	_ =	shalt  }
0x53: {  	_ =	shalt  }
0x54: {  	_ =	shalt  }
0x55: {  	_ =	shalt  }
0x56: {  	_ =	shalt  }
0x57: {  	_ =	shalt  }
0x58: {  	_ =	shalt  }
0x59: {  	_ =	shalt  }
0x5a: {  	_ =	shalt  }
0x5b: {  	_ =	shalt  }
0x5c: {  	_ =	shalt  }
0x5d: {  	_ =	shalt  }
0x5e: {  	_ =	shalt  }
0x5f: {  	_ =	shalt  }
0x60: {  	_ =	shalt  }
0x61: {  	_ =	shalt  }
0x62: {  	_ =	shalt  }
0x63: {  	_ =	shalt  }
0x64: {  	_ =	shalt  }
0x65: {  	_ =	shalt  }
0x66: {  	_ =	shalt  }
0x67: {  	_ =	shalt  }
0x68: {  	_ =	shalt  }
0x69: {  	_ =	shalt  }
0x6a: {  	_ =	shalt  }
0x6b: {  	_ =	shalt  }
0x6c: {  	_ =	shalt  }
0x6d: {  	_ =	shalt  }
0x6e: {  	_ =	shalt  }
0x6f: {  	_ =	shalt  }
0x70: {  	_ =	shalt  }
0x71: {  	_ =	shalt  }
0x72: {  	_ =	shalt  }
0x73: {  	_ =	shalt  }
0x74: {  	_ =	shalt  }
0x75: {  	_ =	shalt  }
0x76: {  	_ =	shalt  }
0x77: {  	_ =	shalt  }
0x78: {  	_ =	shalt  }
0x79: {  	_ =	shalt  }
0x7a: {  	_ =	shalt  }
0x7b: {  	_ =	shalt  }
0x7c: {  	_ =	shalt  }
0x7d: {  	_ =	shalt  }
0x7e: {  	_ =	shalt  }
0x7f: {  	_ =	shalt  }
0x80: {  	_ =	shalt  }
0x81: {  	_ =	shalt  }
0x82: {  	_ =	shalt  }
0x83: {  	_ =	shalt  }
0x84: {  	_ =	shalt  }
0x85: {  	_ =	shalt  }
0x86: {  	_ =	shalt  }
0x87: {  	_ =	shalt  }
.Lfunc_end0:
.L_simem_size_0:
called_computation.3_lowered:
.L_overlay_start_0:
0x88: {  	s2 =	sld [smem:$0x3FD9]  }
0x89: {  	s3 =	sld [smem:$0x3FFE];
	_ =	sdelay $0x1  }
0x8a: {  	s1 =	srdreg.scid  }
0x8b: {  	s0 =	sand.u32 $0x1, s1  }
0x8c: {  	s17 =	sshll.u32 s0, $0xA;
	s2 =	sadd.s32 s3, s2  }
0x8d: {  	s2 =	sadd.s32 s2, s17  }
0x8e: {  	[smem:$0x3FBD] =	sst s2  }
0x8f: {  	_ = 	snop  }
0x90: {  	s2 =	sld [smem:$0x3FD0];
	(tm) =	ssettm $0x1  }
0x91: {  	s18 =	sld [smem:$0x3FFB];
	_ =	sdelay $0x3  }
0x92: {  	_ =	strace s18  }
0x93: {  	s3 =	sld [smem:$0x3FFC];
	_ =	sdelay $0x3  }
0x94: {  	_ =	strace s3  }
0x95: {  	s3 =	sld [smem:$0x3FFD];
	_ =	sdelay $0x3  }
0x96: {  	_ =	strace s3  }
0x97: {  	_ =	strace $0x8FFFFFFF  }
0x98: {  	s19 =	sld [smem:$0x3FDB];
	_ =	sdelay $0x1  }
0x99: {  	s4 =	simm.s32 $_scs_section_size  }
0x9a: {  	s5 =	simm.s32 $_size__tile_overlayer_lowered;
	s6 =	simm.s32 $_tile_overlayer_lowered  }
0x9b: {  	s22 =	simm.s32 $0x1BFF;
	s21 =	sshll.u32 s6, $0x1;
	s3 =	sadd.s32 s4, s19  }
0x9c: {  	s7 =	simm.s32 $0x0;
	s20 =	sshll.u32 s5, $0x1;
	s5 =	sadd.s32 s21, s3  }
0x9d: {  	[timem:s7], [sflag:s22] =	dma.local [hbm:s5], s20  }
0x9e: {  	_ =	swait.ge [sflag:s22], s20  }
0x9f: {  	s4 =	ssub.s32 $0x0, s20;
	[sflag:s22] =	ssyncset.done $0x0  }
0xa0: {  	[sflag:s22] =	ssyncadd.s32 s4;
	_ =	sdelay $0x1  }
0xa1: {  	s23 =	simm.s32 $0x1B8B  }
0xa2: {  	_ =	swait.ge [sflag:s23], $0x1  }
0xa3: {  	[sflag:s23] =	ssyncset.done $0x0  }
0xa4: {  	s25 =	simm.s32 $0x1B8E;
	s24 =	sld [smem:$0x3FFE];
	[sflag:s23] =	ssyncadd.s32 $0xFFFFFFFF  }
0xa5: {  	s26 =	simm.s32 $execute0_lowered;
	[smem:$0x3FD2] =	sst s25  }
0xa6: {  	s5 =	sshll.u32 s26, $0x1;
	_ =	strace $0x8000004F;
	[dreg:$0x1] =	wrdreg $0xFFFFFFFF  }
0xa7: {  	s28 =	simm.s32 $_size_execute0_lowered;
	s3 =	sadd.s32 s3, s5;
	[dreg:$0x0] =	wrdreg $0x0  }
0xa8: {  	s5 =	sshll.u32 s28, $0x1;
	[dreg:$0x2] =	wrdreg s3  }
0xa9: {  	[dreg:$0x3] =	wrdreg s5  }
0xaa: {  	[dreg:$0x4] =	wrdreg $0xC0  }
0xab: {  	_ =	task [dreg:s7], $0x5FFFF  }
0xac: {  	[dreg:$0x1] =	wrdreg $0xFFFFFFFF  }
0xad: {  	[dreg:$0x0] =	wrdreg $0x60  }
0xae: {  	[dreg:$0x2] =	wrdreg s24  }
0xaf: {  	[dreg:$0x3] =	wrdreg s2  }
0xb0: {  	[dreg:$0x4] =	wrdreg $0x41000  }
0xb1: {  	[dreg:$0x5] =	wrdreg $0x9  }
0xb2: {  	_ =	task.clear_ibuf [dreg:s7], $0x6FFFF;
	_ =	strace $0x9000004F  }
0xb3: {  	s29 =	simm.s32 $0x9;
	_ =	strace $0x80000051  }
0xb4: {  	_ =	swait.ge [sflag:s29], $0x1  }
0xb5: {  	[sflag:s29] =	ssyncadd.s32 $0xFFFFFFFF  }
0xb6: {  	_ =	strace $0x90000051  }
0xb7: {  	_ =	sfence  }
0xb8: {  	s30 =	sld [smem:$0x0];
	_ =	sdelay $0x2  }
0xb9: {  	s31 =	sshll.u32 s1, $0xD;
	s1 =	sshrl.u32 s1, $0x2  }
0xba: {  	s3 =	sand.u32 $0x4000, s31;
	s1 =	sadd.s32 s1, s30  }
0xbb: {  	s0 =	sor.u32 s3, s0;
	s1 =	sshll.u32 s1, $0x11  }
0xbc: {  	s0 =	sor.u32 s1, s0  }
0xbd: {  	s0 =	sadd.s32 $0x8F2B, s0  }
0xbe: {  	[sflag:s0] =	ssyncadd.remote.s32 $0x1  }
0xbf: {  	_ =	sfence.sel $0xFFFF  }
0xc0: {  	[dreg:$0x0] =	wrdreg $0xFFFFFFFF;
	(pc) =	sbr.abs _section_cstart, $3  }
0xc1: {  	[dreg:$0x1] =	wrdreg $0xFFFFFFFF  }
0xc2: {  	_ =	task.clear_ibuf [dreg:s7], $0x2FFFF;
	_ =	strace $0x9FFFFFFF  }
0xc3: {  	(tm) =	ssettm $0x7FFFFFFF  }
tec
execute0_lowered:
.L_overlay_start_1:
0x0: {  	(tag) =	ssettag $0x1  }
0x1: {  	s6 =	rddreg [dreg:$0x0]  }
0x2: {  	s1 =	rddreg [dreg:$0x1]  }
0x3: {  	s2 =	rddreg [dreg:$0x2];
	s4 =	srdreg.scid  }
0x4: {  	s0 =	rddreg [dreg:$0x3];
	s8 =	sand.u32 $0x1, s4  }
0x5: {  	s3 =	simm.s32 $0x0;
	s4 =	stileid.u32;
	s5 =	smul.u32 $0x4F00, s8  }
0x6: {  	s18 =	simm.s32 $0x2;
	s19 =	simm.s32 $0x80;
	s7 =	smul.u32 $0x4E000, s4  }
0x7: {  	s20 =	simm.s32 $0x1;
	s24 =	simm.s32 $0x0;
	s11 =	smul.u32 $0x2700, s4  }
0x8: {  	[smem:$0x7FF] =	sst s3;
	s13 =	sadd.s32 $0x17400, s6;
	s12 =	smul.u32 $0x27100, s8  }
0x9: {  	_ =	strace $0x80000050;
	s9 =	ssub.s32 $0x2, s8;
	s16 =	smul.u32 $0x138800, s8  }
0xa: {  	s17 =	smul.u32 $0x4F0, s4;
	p0 =	sne.s32 s4, $0xF;
	s21 =	sshll.u32 s4, $0x6  }
0xb: {  	s30 =	sshrl.u32 s9, $0x1;
	s21 =	sor.u32 $0x1C02, s21;
	s15 =	sadd.s32 s5, s6  }
0xc: {  	s5 =	sadd.s32 $0x16C00, s6;
	s29 =	sshrl.u32 s7, $0x2;
	s14 =	ssub.s32 s9, s30  }
0xd: {  	s12 =	sadd.s32 s11, s12;
	s16 =	sshrl.u32 s16, $0x3;
	s11 =	sadd.s32 $0x138000, s2  }
0xe: {  	s6 =	sadd.s32 s29, s2;
	s12 =	sadd.s32 s13, s12;
	s13 =	sadd.s32 s13, s16  }
0xf: {  	s14 =	smax.u32 s14, $0x1;
	s31 =	sadd.s32 s17, s15;
	s17 =	simm.s32 $0x100  }
0x10: {  	s23 =	sshrl.u32 @!p0 s11, $0x3;
	s7 =	sadd.s32 $0x4000, s6;
	s8 =	sadd.s32 $0x8000, s6  }
0x11: {  	s9 =	sadd.s32 $0xC000, s6;
	s10 =	sadd.s32 $0x10000, s6;
	s13 =	sadd.s32 $0x27000, s13  }
0x12: {  	s15 =	sadd.s32 $0x3000, s31;
	s16 =	sadd.s32 $0xCE00, s31;
	s22 =	sshrl.u32 s6, $0x3  }
.LBB2_1:
0x13: {  	[tilespmem:s17], [sflag:$0x2] =	stream.linear.gather [hbm4b:s5+s3], $0x4000, $0x38;
	[tilespmem:$0x179C0] =	vst v63  }
0x14: {  	_ =	swait.ge [sflag:s18], $0x4000  }
0x15: {  	[sflag:s18] =	ssyncset.done $0x0  }
0x16: {  	[sflag:s18] =	ssyncadd.s32 $0xFFFFC000  }
0x17: {  	[spmem:s6] =	stream.linear.scatter [tilespmem:s17], [sflag:$0x2], $0x4000, $0x38;
	[tilespmem:$0x179C0] =	vst v63  }
0x18: {  	_ =	swait.ge [sflag:s18], $0x4000  }
0x19: {  	[sflag:s18] =	ssyncset.done $0x0  }
0x1a: {  	[sflag:s18] =	ssyncadd.s32 $0xFFFFC000  }
0x1b: {  	[spmem:s7] =	stream.linear.scatter [tilespmem:s17], [sflag:$0x2], $0x4000, $0x38;
	[tilespmem:$0x179C0] =	vst v63  }
0x1c: {  	_ =	swait.ge [sflag:s18], $0x4000  }
0x1d: {  	[sflag:s18] =	ssyncset.done $0x0  }
0x1e: {  	[sflag:s18] =	ssyncadd.s32 $0xFFFFC000  }
0x1f: {  	[spmem:s8] =	stream.linear.scatter [tilespmem:s17], [sflag:$0x2], $0x4000, $0x38;
	[tilespmem:$0x179C0] =	vst v63  }
0x20: {  	_ =	swait.ge [sflag:s18], $0x4000  }
0x21: {  	[sflag:s18] =	ssyncset.done $0x0  }
0x22: {  	[sflag:s18] =	ssyncadd.s32 $0xFFFFC000  }
0x23: {  	[spmem:s9] =	stream.linear.scatter [tilespmem:s17], [sflag:$0x2], $0x4000, $0x38;
	[tilespmem:$0x179C0] =	vst v63  }
0x24: {  	_ =	swait.ge [sflag:s18], $0x4000  }
0x25: {  	[sflag:s18] =	ssyncset.done $0x0  }
0x26: {  	[sflag:s18] =	ssyncadd.s32 $0xFFFFC000  }
0x27: {  	[spmem:s10] =	stream.linear.scatter [tilespmem:s17], [sflag:$0x2], $0x3800, $0x38;
	[tilespmem:$0x179C0] =	vst v63  }
0x28: {  	_ =	swait.ge [sflag:s18], $0x3800  }
0x29: {  	[sflag:s18] =	ssyncset.done $0x0  }
0x2a: {  	s25 =	simm.s32 @!p0 $0x100;
	[sflag:s18] =	ssyncadd.s32 $0xFFFFC800  }
0x2b: {  	[spmem:s11] =	stream.linear.scatter @!p0 [tilespmem:s25], [sflag:$0x2], $0x800, $0x38;
	[tilespmem:$0x179C0] =	vst v63  }
0x2c: {  	s25 =	simm.s32 @!p0 $0x2  }
0x2d: {  	_ =	swait.ge @!p0 [sflag:s25], $0x800  }
0x2e: {  	[sflag:s25] =	ssyncset.done @!p0 $0x0  }
0x2f: {  	[sflag:s25] =	ssyncadd.s32 @!p0 $0xFFFFF800  }
0x30: {  	s30 =	sadd.s32 $0x0, s16;
	[bflag:$0x0] =	sbarrier.arrive $0xFFFF  }
0x31: {  	[tilespmem:s3], [sflag:$0x2] =	stream.linear.gather [hbm4b:s30+s3], $0x80, $0x38;
	[tilespmem:$0x179C0] =	vst v63  }
0x32: {  	_ =	swait.ge [sflag:s18], $0x80  }
0x33: {  	[sflag:s18] =	ssyncset.done $0x0  }
0x34: {  	s31 =	sadd.s32 $0x0, s15;
	[sflag:s18] =	ssyncadd.s32 $0xFFFFFF80  }
0x35: {  	[tilespmem:s19], [sflag:$0x2] =	stream.linear.gather [hbm4b:s31+s3], $0x80, $0x38;
	[tilespmem:$0x179C0] =	vst v63  }
0x36: {  	_ =	swait.ge [sflag:s18], $0x80  }
0x37: {  	[sflag:s18] =	ssyncset.done $0x0  }
0x38: {  	[sflag:s18] =	ssyncadd.s32 $0xFFFFFF80  }
0x39: {  	[tilespmem:s17], [sflag:$0x1] =	stream.indirect.gather [hbm4b:s1+s19], $0x80, s3, s19, $0xb8;
	[tilespmem:$0x179C0] =	vst v63  }
0x3a: {  	_ =	swait.ge [sflag:s20], $0x4000  }
0x3b: {  	[sflag:s20] =	ssyncset.done $0x0  }
0x3c: {  	[sflag:s20] =	ssyncadd.s32 $0xFFFFC000  }
0x3d: {  	[spmem:s2] =	stream.indirect.scatter.add.f32 [tilespmem:s17], [sflag:$0x2], $0x80, s19, s19, $0xb8;
	[tilespmem:$0x179C0] =	vst v63  }
0x3e: {  	_ =	swait.ge [sflag:s18], $0x4000  }
0x3f: {  	s26 =	simm.s32 $0x20;
	s25 =	simm.s32 $0x10;
	[sflag:s18] =	ssyncset.done $0x0  }
.LBB2_2:
0x40: {  	s28 =	sadd.s32 s25, s16  }
0x41: {  	[sflag:s18] =	ssyncadd.s32 $0xFFFFC000;
	s29 =	smov.u32 s26;
	s30 =	sadd.s32 $0x10, s26  }
0x42: {  	[tilespmem:s3], [sflag:$0x2] =	stream.linear.gather [hbm4b:s28+s3], $0x80, $0x38;
	[tilespmem:$0x179C0] =	vst v63  }
0x43: {  	p1 =	sne.s32 s26, $0x4E0;
	_ =	swait.ge [sflag:s18], $0x80  }
0x44: {  	[sflag:s18] =	ssyncset.done $0x0  }
0x45: {  	s26 =	sadd.s32 s25, s15;
	s25 =	smov.u32 s29;
	[sflag:s18] =	ssyncadd.s32 $0xFFFFFF80  }
0x46: {  	[tilespmem:s19], [sflag:$0x2] =	stream.linear.gather [hbm4b:s26+s3], $0x80, $0x38;
	[tilespmem:$0x179C0] =	vst v63  }
0x47: {  	_ =	swait.ge [sflag:s18], $0x80  }
0x48: {  	[sflag:s18] =	ssyncset.done $0x0  }
0x49: {  	[sflag:s18] =	ssyncadd.s32 $0xFFFFFF80  }
0x4a: {  	[tilespmem:s17], [sflag:$0x1] =	stream.indirect.gather [hbm4b:s1+s19], $0x80, s3, s19, $0xb8;
	[tilespmem:$0x179C0] =	vst v63  }
0x4b: {  	_ =	swait.ge [sflag:s20], $0x4000  }
.Ltmp0:
0x4c: {  	[sflag:s20] =	ssyncset.done $0x0;
	(pc) =	sbr.rel @p1 .LBB2_2-.Ltmp0, $4  }
0x4d: {  	[sflag:s20] =	ssyncadd.s32 $0xFFFFC000  }
0x4e: {  	[spmem:s2] =	stream.indirect.scatter.add.f32 [tilespmem:s17], [sflag:$0x2], $0x80, s19, s19, $0xb8;
	[tilespmem:$0x179C0] =	vst v63  }
0x4f: {  	_ =	swait.ge [sflag:s18], $0x4000  }
0x50: {  	s26 =	smov.u32 s30;
	[sflag:s18] =	ssyncset.done $0x0  }
0x51: {  	s26 =	sadd.s32 s25, s16;
	[sflag:s18] =	ssyncadd.s32 $0xFFFFC000  }
0x52: {  	[tilespmem:s3], [sflag:$0x2] =	stream.linear.gather [hbm4b:s26+s3], $0x80, $0x38;
	[tilespmem:$0x179C0] =	vst v63  }
0x53: {  	_ =	swait.ge [sflag:s18], $0x80  }
0x54: {  	[sflag:s18] =	ssyncset.done $0x0  }
0x55: {  	s31 =	sadd.s32 s25, s15;
	[sflag:s18] =	ssyncadd.s32 $0xFFFFFF80  }
0x56: {  	[tilespmem:s19], [sflag:$0x2] =	stream.linear.gather [hbm4b:s31+s3], $0x80, $0x38;
	[tilespmem:$0x179C0] =	vst v63  }
0x57: {  	_ =	swait.ge [sflag:s18], $0x80  }
0x58: {  	[sflag:s18] =	ssyncset.done $0x0  }
0x59: {  	[sflag:s18] =	ssyncadd.s32 $0xFFFFFF80  }
0x5a: {  	[tilespmem:s17], [sflag:$0x1] =	stream.indirect.gather [hbm4b:s1+s19], $0x80, s3, s19, $0xb8;
	[tilespmem:$0x179C0] =	vst v63  }
0x5b: {  	_ =	swait.ge [sflag:s20], $0x4000  }
0x5c: {  	[sflag:s20] =	ssyncset.done $0x0  }
0x5d: {  	[sflag:s20] =	ssyncadd.s32 $0xFFFFC000  }
0x5e: {  	[spmem:s2] =	stream.indirect.scatter.add.f32 [tilespmem:s17], [sflag:$0x2], $0x80, s19, s19, $0xb8;
	[tilespmem:$0x179C0] =	vst v63  }
0x5f: {  	_ =	swait.ge [sflag:s18], $0x4000  }
0x60: {  	[sflag:s18] =	ssyncset.done $0x0  }
0x61: {  	[sflag:s18] =	ssyncadd.s32 $0xFFFFC000  }
0x62: {  	[bflag:$0x0] =	sbarrier.arrive $0xFFFF  }
0x63: {  	[hbm:s12], [sflag:s21] =	dma.local [spmem:s22], $0x2700  }
0x64: {  	s24 =	sadd.s32 $0x1, s24;
	_ =	swait.ge [sflag:s18], $0x2700  }
0x65: {  	p1 =	sne.s32 s24, s14;
	[sflag:s18] =	ssyncset.done $0x0  }
.Ltmp1:
0x66: {  	s25 =	simm.s32 @!p0 $0x2;
	[sflag:s18] =	ssyncadd.s32 $0xFFFFD900;
	(pc) =	sbr.rel @p1 .LBB2_1-.Ltmp1, $4  }
0x67: {  	[hbm:s13], [sflag:s21] =	dma.local @!p0 [spmem:s23], $0x100  }
0x68: {  	_ =	swait.ge @!p0 [sflag:s25], $0x100  }
0x69: {  	[sflag:s25] =	ssyncset.done @!p0 $0x0  }
0x6a: {  	[sflag:s25] =	ssyncadd.s32 @!p0 $0xFFFFFF00  }
0x6b: {  	_ =	sfence.sel $0x180000  }
0x6c: {  	[bflag:$0x0] =	sbarrier.arrive $0xFFFF  }
0x6d: {  	p0 =	sne.s32 s4, $0x0;
	_ =	strace $0x90000050  }
0x6e: {  	s0 =	sadd.s32 @!p0 $0x100000, s0;
	[bflag:$0x2] =	sbarrier.arrive $0xFFFF  }
0x6f: {  	[sflag:s0] =	ssyncadd.tile.s32 @!p0 $0x1;
	_ =	shalt  }
.Lfunc_end2:
_tile_overlayer_lowered:
.L_overlay_start_2:
0x70: {  	(tag) =	ssettag $0x2  }
0x71: {  	s0 =	rddreg [dreg:$0x0];
	s2 =	stileid.u32  }
0x72: {  	s1 =	rddreg [dreg:$0x1];
	p0 =	sne.s32 s2, $0x0  }
0x73: {  	s3 =	rddreg [dreg:$0x2];
	[bflag:$0x3] =	sbarrier.arrive $0xFFFF;
	s2 =	simm.s32 @!p0 $0x1C02  }
0x74: {  	[timem:s3], [sflag:s2] =	dma.local @!p0 [hbm:s0], s1  }
0x75: {  	s0 =	simm.s32 @!p0 $0x2  }
0x76: {  	_ =	swait.ge @!p0 [sflag:s0], s1  }
0x77: {  	s1 =	ssub.s32 @!p0 $0x0, s1;
	[sflag:s0] =	ssyncset.done @!p0 $0x0  }
0x78: {  	[sflag:s0] =	ssyncadd.s32 @!p0 s1  }
0x79: {  	[bflag:$0x3] =	sbarrier.arrive $0xFFFF  }
0x7a: {  	_ =	shalt  }

// kernel: kernel.9.cloned.1.call-start
scs
__scs_entry_jumppad:
0x0: {  	(pc) =	sbr.rel $0x88, $3  }
0x1: {  	(tag) =	ssettag $0x0;
	lr =	simm.s32 $0x1  }
0x2: {  	[smem:$0x3F96] =	sst lr;
	_ =	strace $0xD0000000  }
0x3: {  	_ = 	snop  }
0x4: {  	_ = 	snop  }
0x5: {  	_ = 	snop  }
0x6: {  	_ = 	snop  }
0x7: {  	_ = 	snop  }
__scs_overlays_trampoline_lowered:
0x8: {  	[smem:$0x3FA5] =	sst s0  }
0x9: {  	[smem:$0x3FA6] =	sst s1  }
0xa: {  	[smem:$0x3FA7] =	sst s2  }
0xb: {  	[smem:$0x3FA8] =	sst s3  }
0xc: {  	[smem:$0x3FA9] =	sst s4  }
0xd: {  	[smem:$0x3FAA] =	sst s5  }
0xe: {  	[smem:$0x3FAB] =	sst s6  }
0xf: {  	[smem:$0x3FAC] =	sst s7  }
0x10: {  	[smem:$0x3FAD] =	sst s8  }
0x11: {  	[smem:$0x3FAE] =	sst s9;
	s0 =	simm.s32 @!p0 $0x0  }
0x12: {  	s1 =	sld [smem:$0x3F94];
	s0 =	simm.s32 @p0 $0x1  }
0x13: {  	[smem:$0x3FAF] =	sst s0;
	s0 =	simm.s32 @!p1 $0x0  }
0x14: {  	s2 =	sld [smem:$0x3F93];
	s0 =	simm.s32 @p1 $0x1  }
0x15: {  	[smem:$0x3FB0] =	sst s0;
	s0 =	simm.s32 @!p2 $0x0  }
0x16: {  	s3 =	sld [smem:$0x3FDB];
	s0 =	simm.s32 @p2 $0x1  }
0x17: {  	s4 =	simm.s32 $0x1BF5;
	[smem:$0x3FB2] =	sst s0  }
0x18: {  	s0 =	sld [smem:$0x3F95];
	_ =	swait.ge [sflag:s4], $0x0  }
0x19: {  	s7 =	sld [smem:$0x3F96]  }
0x1a: {  	s8 =	sadd.s32 $0xFFFFE003, lr  }
0x1b: {  	s9 =	sadd.s32 $0xFFFFFEF7, lr;
	s5 =	simm.s32 $0xFFFFFFFF;
	p2 =	slt.u32 s8, $0xFFFFF086  }
0x1c: {  	p1 =	slt.u32 s9, $0xF7A;
	s5 =	simm.s32 @!p2 $0x0  }
0x1d: {  	s5 =	simm.s32 @p1 $0x1;
	p0 =	seq.s32 s7, s2  }
0x1e: {  	s7 =	smul.u32 @!p0 $0xF7A, s2;
	p2 =	seq.s32 @!p0 s5, $0x0  }
0x1f: {  	s9 =	smul.u32 $0xF7A, s1;
	s8 =	simm.s32 @!p0 $0x1BF5;
	p2 =	por !p2, p0  }
0x20: {  	[sflag:s8] =	ssyncset.s32 @!p0 $0xFFFFF086;
	s6 =	sadd.s32 @!p0 s3, s7;
	s7 =	simm.s32 @!p0 $0x108  }
0x21: {  	s3 =	sadd.s32 s3, s9;
	s6 =	sadd.s32 @!p0 $0x88, s6;
	s7 =	simm.s32 @p2 $0x1082  }
0x22: {  	[simem:s7], [sflag:s8] =	dma.local @!p0 [hbm:s6], $0xF7A  }
0x23: {  	s9 =	sor.u32 $0xD0000000, s2;
	s6 =	simm.s32 $0x108;
	_ =	swait.ge @!p0 [sflag:s8], $0x0  }
0x24: {  	s3 =	sadd.s32 $0x88, s3;
	s6 =	simm.s32 @!p1 $0x1082;
	[sflag:s4] =	ssyncset.s32 $0xFFFFF086  }
0x25: {  	[simem:s6], [sflag:s4] =	dma.local [hbm:s3], $0xF7A  }
0x26: {  	[smem:$0x3F96] =	sst s1;
	(tag) =	ssettag s2;
	_ =	strace s9  }
0x27: {  	s1 =	sld [smem:$0x3FA6]  }
0x28: {  	s2 =	sld [smem:$0x3FA7]  }
0x29: {  	s4 =	sld [smem:$0x3FA9]  }
0x2a: {  	p0 =	seq.s32 s5, $0x0;
	s5 =	sld [smem:$0x3FAA]  }
0x2b: {  	s6 =	sld [smem:$0x3FAB]  }
0x2c: {  	s7 =	sld [smem:$0x3FAC]  }
0x2d: {  	s3 =	simm.s32 $0x108;
	s8 =	sld [smem:$0x3FAD]  }
0x2e: {  	s3 =	simm.s32 @!p0 $0x1082;
	s9 =	sld [smem:$0x3FAE]  }
0x2f: {  	lr =	sadd.s32 s0, s3;
	s0 =	sld [smem:$0x3FA5]  }
0x30: {  	s3 =	sld [smem:$0x3FA8]  }
0x31: {  	[smem:$0x3FB1] =	sst s10  }
0x32: {  	s10 =	sld [smem:$0x3FAF];
	_ =	sdelay $0x3  }
0x33: {  	p0 =	seq.s32 s10, $0x1;
	s10 =	sld [smem:$0x3FB1];
	_ =	sdelay $0x3  }
0x34: {  	[smem:$0x3FB1] =	sst s10  }
0x35: {  	s10 =	sld [smem:$0x3FB0];
	_ =	sdelay $0x3  }
0x36: {  	p1 =	seq.s32 s10, $0x1;
	s10 =	sld [smem:$0x3FB1];
	_ =	sdelay $0x3  }
0x37: {  	[smem:$0x3FB1] =	sst s10  }
0x38: {  	s10 =	sld [smem:$0x3FB2]  }
0x39: {  	_ = 	snop;
	(pc) =	sbr.ind lr, $3  }
0x3a: {  	_ = 	snop  }
0x3b: {  	_ = 	snop  }
0x3c: {  	p2 =	seq.s32 s10, $0x1;
	s10 =	sld [smem:$0x3FB1]  }
0x3d: {  	_ =	shalt  }
0x3e: {  	_ =	shalt  }
0x3f: {  	_ =	shalt  }
0x40: {  	_ =	shalt  }
0x41: {  	_ =	shalt  }
0x42: {  	_ =	shalt  }
0x43: {  	_ =	shalt  }
0x44: {  	_ =	shalt  }
0x45: {  	_ =	shalt  }
0x46: {  	_ =	shalt  }
0x47: {  	_ =	shalt  }
0x48: {  	_ =	shalt  }
0x49: {  	_ =	shalt  }
0x4a: {  	_ =	shalt  }
0x4b: {  	_ =	shalt  }
0x4c: {  	_ =	shalt  }
0x4d: {  	_ =	shalt  }
0x4e: {  	_ =	shalt  }
0x4f: {  	_ =	shalt  }
0x50: {  	_ =	shalt  }
0x51: {  	_ =	shalt  }
0x52: {  	_ =	shalt  }
0x53: {  	_ =	shalt  }
0x54: {  	_ =	shalt  }
0x55: {  	_ =	shalt  }
0x56: {  	_ =	shalt  }
0x57: {  	_ =	shalt  }
0x58: {  	_ =	shalt  }
0x59: {  	_ =	shalt  }
0x5a: {  	_ =	shalt  }
0x5b: {  	_ =	shalt  }
0x5c: {  	_ =	shalt  }
0x5d: {  	_ =	shalt  }
0x5e: {  	_ =	shalt  }
0x5f: {  	_ =	shalt  }
0x60: {  	_ =	shalt  }
0x61: {  	_ =	shalt  }
0x62: {  	_ =	shalt  }
0x63: {  	_ =	shalt  }
0x64: {  	_ =	shalt  }
0x65: {  	_ =	shalt  }
0x66: {  	_ =	shalt  }
0x67: {  	_ =	shalt  }
0x68: {  	_ =	shalt  }
0x69: {  	_ =	shalt  }
0x6a: {  	_ =	shalt  }
0x6b: {  	_ =	shalt  }
0x6c: {  	_ =	shalt  }
0x6d: {  	_ =	shalt  }
0x6e: {  	_ =	shalt  }
0x6f: {  	_ =	shalt  }
0x70: {  	_ =	shalt  }
0x71: {  	_ =	shalt  }
0x72: {  	_ =	shalt  }
0x73: {  	_ =	shalt  }
0x74: {  	_ =	shalt  }
0x75: {  	_ =	shalt  }
0x76: {  	_ =	shalt  }
0x77: {  	_ =	shalt  }
0x78: {  	_ =	shalt  }
0x79: {  	_ =	shalt  }
0x7a: {  	_ =	shalt  }
0x7b: {  	_ =	shalt  }
0x7c: {  	_ =	shalt  }
0x7d: {  	_ =	shalt  }
0x7e: {  	_ =	shalt  }
0x7f: {  	_ =	shalt  }
0x80: {  	_ =	shalt  }
0x81: {  	_ =	shalt  }
0x82: {  	_ =	shalt  }
0x83: {  	_ =	shalt  }
0x84: {  	_ =	shalt  }
0x85: {  	_ =	shalt  }
0x86: {  	_ =	shalt  }
0x87: {  	_ =	shalt  }
.Lfunc_end0:
.L_simem_size_0:
called_computation_lowered:
.L_overlay_start_0:
0x88: {  	s2 =	sld [smem:$0x3FD9]  }
0x89: {  	s3 =	sld [smem:$0x3FFE];
	_ =	sdelay $0x1  }
0x8a: {  	s1 =	srdreg.scid  }
0x8b: {  	s0 =	sand.u32 $0x1, s1  }
0x8c: {  	s17 =	sshll.u32 s0, $0xA;
	s2 =	sadd.s32 s3, s2  }
0x8d: {  	s2 =	sadd.s32 s2, s17  }
0x8e: {  	[smem:$0x3FBD] =	sst s2  }
0x8f: {  	_ = 	snop  }
0x90: {  	s18 =	sld [smem:$0x3FD0];
	(tm) =	ssettm $0x1  }
0x91: {  	s19 =	sld [smem:$0x3FFB];
	_ =	sdelay $0x3  }
0x92: {  	_ =	strace s19  }
0x93: {  	s2 =	sld [smem:$0x3FFC];
	_ =	sdelay $0x3  }
0x94: {  	_ =	strace s2  }
0x95: {  	s2 =	sld [smem:$0x3FFD];
	_ =	sdelay $0x3  }
0x96: {  	_ =	strace s2  }
0x97: {  	_ =	strace $0x8FFFFFFF  }
0x98: {  	s20 =	sld [smem:$0x3FDB];
	_ =	sdelay $0x1  }
0x99: {  	s4 =	simm.s32 $_scs_section_size  }
0x9a: {  	s5 =	simm.s32 $_size__tile_overlayer_lowered;
	s6 =	simm.s32 $_tile_overlayer_lowered  }
0x9b: {  	s7 =	simm.s32 $0x1BFF;
	s21 =	sshll.u32 s6, $0x1;
	s4 =	sadd.s32 s4, s20  }
0x9c: {  	s22 =	simm.s32 $0x0;
	s5 =	sshll.u32 s5, $0x1;
	s6 =	sadd.s32 s21, s4  }
0x9d: {  	[timem:s22], [sflag:s7] =	dma.local [hbm:s6], s5  }
0x9e: {  	_ =	swait.ge [sflag:s7], s5  }
0x9f: {  	s5 =	ssub.s32 $0x0, s5;
	[sflag:s7] =	ssyncset.done $0x0  }
0xa0: {  	[sflag:s7] =	ssyncadd.s32 s5;
	_ =	sdelay $0x1  }
0xa1: {  	s23 =	simm.s32 $0x1B8B  }
0xa2: {  	_ =	swait.ge [sflag:s23], $0x1  }
0xa3: {  	[sflag:s23] =	ssyncset.done $0x0  }
0xa4: {  	[sflag:s23] =	ssyncadd.s32 $0xFFFFFFFF  }
0xa5: {  	s5 =	sld [smem:$0x0]  }
0xa6: {  	s6 =	sand.u32 $0xFFFFFFFE, s1  }
0xa7: {  	p0 =	sne.s32 s1, s6  }
0xa8: {  	s6 =	sshll.u32 @p0 s6, $0xE  }
0xa9: {  	s6 =	sadd.s32 @p0 $0x11B8D, s6;
	s7 =	sshll.u32 @p0 s5, $0x11  }
0xaa: {  	s6 =	sor.u32 @p0 s7, s6  }
0xab: {  	[sflag:s6] =	ssyncadd.remote.s32 @p0 $0x1;
	_ =	sdelay $0x1  }
0xac: {  	s6 =	simm.s32 @p0 $0x1B8D  }
0xad: {  	_ =	swait.eq @p0 [sflag:s6], $0x1  }
0xae: {  	[sflag:s6] =	ssyncadd.s32 @p0 $0xFFFFFFFF  }
0xaf: {  	s7 =	sshll.u32 @!p0 s1, $0xE  }
0xb0: {  	s7 =	sor.u32 @!p0 $0x4000, s7;
	s6 =	simm.s32 @!p0 $0x1B8D  }
0xb1: {  	s5 =	sshll.u32 @!p0 s5, $0x11;
	s7 =	sadd.s32 @!p0 $0x11B8D, s7;
	_ =	swait.eq @!p0 [sflag:s6], $0x1  }
0xb2: {  	s5 =	sor.u32 @!p0 s5, s7;
	[sflag:s6] =	ssyncadd.s32 @!p0 $0xFFFFFFFF  }
0xb3: {  	s25 =	simm.s32 $0x1B8E;
	s24 =	sld [smem:$0x3FFE];
	[sflag:s5] =	ssyncadd.remote.s32 @!p0 $0x1  }
0xb4: {  	s26 =	simm.s32 $execute0_lowered;
	[smem:$0x3FD2] =	sst s25  }
0xb5: {  	s6 =	sshll.u32 s26, $0x1;
	_ =	strace $0x80000049;
	[dreg:$0x1] =	wrdreg $0xFFFFFFFF  }
0xb6: {  	s28 =	simm.s32 $_size_execute0_lowered;
	s4 =	sadd.s32 s4, s6;
	[dreg:$0x0] =	wrdreg $0x0  }
0xb7: {  	s6 =	sshll.u32 s28, $0x1;
	[dreg:$0x2] =	wrdreg s4  }
0xb8: {  	[dreg:$0x3] =	wrdreg s6  }
0xb9: {  	[dreg:$0x4] =	wrdreg $0xC0  }
0xba: {  	_ =	task [dreg:s22], $0x5FFFF  }
0xbb: {  	[dreg:$0x1] =	wrdreg $0xFFFFFFFF  }
0xbc: {  	[dreg:$0x0] =	wrdreg $0x60  }
0xbd: {  	[dreg:$0x2] =	wrdreg s24  }
0xbe: {  	[dreg:$0x3] =	wrdreg s18  }
0xbf: {  	[dreg:$0x4] =	wrdreg $0x80800  }
0xc0: {  	[dreg:$0x5] =	wrdreg $0x9  }
0xc1: {  	_ =	task.clear_ibuf [dreg:s22], $0x6FFFF;
	_ =	strace $0x90000049  }
0xc2: {  	s29 =	simm.s32 $0x9;
	_ =	strace $0x8000004B  }
0xc3: {  	_ =	swait.ge [sflag:s29], $0x1  }
0xc4: {  	[sflag:s29] =	ssyncadd.s32 $0xFFFFFFFF  }
0xc5: {  	_ =	strace $0x9000004B  }
0xc6: {  	_ =	sfence  }
0xc7: {  	s30 =	sld [smem:$0x0];
	_ =	sdelay $0x2  }
0xc8: {  	s31 =	sshll.u32 s1, $0xD;
	s1 =	sshrl.u32 s1, $0x2  }
0xc9: {  	s4 =	sand.u32 $0x4000, s31;
	s1 =	sadd.s32 s1, s30  }
0xca: {  	s0 =	sor.u32 s4, s0;
	s1 =	sshll.u32 s1, $0x11  }
0xcb: {  	s0 =	sor.u32 s1, s0  }
0xcc: {  	s0 =	sadd.s32 $0x8F2B, s0  }
0xcd: {  	[sflag:s0] =	ssyncadd.remote.s32 $0x1  }
0xce: {  	_ =	sfence.sel $0xFFFF  }
0xcf: {  	[dreg:$0x0] =	wrdreg $0xFFFFFFFF;
	(pc) =	sbr.abs _section_cstart, $3  }
0xd0: {  	[dreg:$0x1] =	wrdreg $0xFFFFFFFF  }
0xd1: {  	_ =	task.clear_ibuf [dreg:s22], $0x2FFFF;
	_ =	strace $0x9FFFFFFF  }
0xd2: {  	(tm) =	ssettm $0x7FFFFFFF  }
0xd3: {  	_ =	shalt  }
tec
execute0_lowered:
.L_overlay_start_1:
0x0: {  	(tag) =	ssettag $0x1  }
0x1: {  	s6 =	rddreg [dreg:$0x0]  }
0x2: {  	s1 =	rddreg [dreg:$0x1]  }
0x3: {  	s0 =	srdreg.scid;
	s3 =	stileid.u32  }
0x4: {  	s2 =	rddreg [dreg:$0x2];
	s4 =	simm.s32 $0x0;
	s7 =	smul.u32 $0x4E000, s3  }
0x5: {  	s9 =	sand.u32 $0x1, s0;
	s0 =	rddreg [dreg:$0x3];
	s12 =	smul.u32 $0x2700, s3  }
0x6: {  	s22 =	simm.s32 $0x0;
	[smem:$0x7FF] =	sst s4;
	s18 =	smul.u32 $0x4F0, s3  }
0x7: {  	s14 =	sadd.s32 $0x65600, s6;
	s11 =	sadd.s32 $0x138000, s2;
	s5 =	smul.u32 $0x4F00, s9  }
0x8: {  	p0 =	sne.s32 s3, $0xF;
	s19 =	sshll.u32 s3, $0x6;
	s16 =	smul.u32 $0x27100, s9  }
0x9: {  	_ =	strace $0x8000004A;
	s29 =	ssub.s32 $0x2, s9;
	s17 =	smul.u32 $0x138800, s9  }
0xa: {  	s19 =	sor.u32 $0x1C01, s19;
	s21 =	sshrl.u32 @!p0 s11, $0x3;
	s8 =	sshrl.u32 s29, $0x1  }
0xb: {  	s7 =	sshrl.u32 s7, $0x2;
	s13 =	sadd.s32 s5, s6;
	s5 =	sadd.s32 $0x16C00, s6  }
0xc: {  	s15 =	ssub.s32 s29, s8;
	s6 =	sadd.s32 s7, s2;
	s12 =	sadd.s32 s12, s16  }
0xd: {  	s30 =	sshrl.u32 s17, $0x3;
	s16 =	simm.s32 $0x80;
	s17 =	simm.s32 $0x1  }
0xe: {  	s7 =	sadd.s32 $0x4000, s6;
	s8 =	sadd.s32 $0x8000, s6;
	s9 =	sadd.s32 $0xC000, s6  }
0xf: {  	s10 =	sadd.s32 $0x10000, s6;
	s12 =	sadd.s32 s14, s12;
	s14 =	sadd.s32 s14, s30  }
0x10: {  	s31 =	sadd.s32 s18, s13;
	s18 =	simm.s32 $0x4080;
	s20 =	sshrl.u32 s6, $0x3  }
0x11: {  	s13 =	sadd.s32 $0x27000, s14;
	s14 =	smax.u32 s15, $0x1;
	s15 =	sadd.s32 $0x3000, s31  }
.LBB2_1:
0x12: {  	[tilespmem:s16], [sflag:$0x1] =	stream.linear.gather [hbm4b:s5+s4], $0x4000, $0x38;
	[tilespmem:$0x1B940] =	vst v63  }
0x13: {  	_ =	swait.ge [sflag:s17], $0x4000  }
0x14: {  	[sflag:s17] =	ssyncset.done $0x0  }
0x15: {  	[sflag:s17] =	ssyncadd.s32 $0xFFFFC000  }
0x16: {  	[tilespmem:s18], [sflag:$0x1] =	stream.linear.gather [hbm4b:s1+s4], $0x4000, $0x38;
	[tilespmem:$0x1B940] =	vst v63  }
0x17: {  	_ =	swait.ge [sflag:s17], $0x4000  }
0x18: {  	[sflag:s17] =	ssyncset.done $0x0  }
0x19: {  	[sflag:s17] =	ssyncadd.s32 $0xFFFFC000  }
0x1a: {  	[spmem:s6] =	stream.linear.scatter [tilespmem:s16], [sflag:$0x1], $0x4000, $0x38;
	[tilespmem:$0x1B940] =	vst v63  }
0x1b: {  	_ =	swait.ge [sflag:s17], $0x4000  }
0x1c: {  	[sflag:s17] =	ssyncset.done $0x0  }
0x1d: {  	[sflag:s17] =	ssyncadd.s32 $0xFFFFC000  }
0x1e: {  	[spmem:s7] =	stream.linear.scatter [tilespmem:s16], [sflag:$0x1], $0x4000, $0x38;
	[tilespmem:$0x1B940] =	vst v63  }
0x1f: {  	_ =	swait.ge [sflag:s17], $0x4000  }
0x20: {  	[sflag:s17] =	ssyncset.done $0x0  }
0x21: {  	[sflag:s17] =	ssyncadd.s32 $0xFFFFC000  }
0x22: {  	[spmem:s8] =	stream.linear.scatter [tilespmem:s16], [sflag:$0x1], $0x4000, $0x38;
	[tilespmem:$0x1B940] =	vst v63  }
0x23: {  	_ =	swait.ge [sflag:s17], $0x4000  }
0x24: {  	[sflag:s17] =	ssyncset.done $0x0  }
0x25: {  	[sflag:s17] =	ssyncadd.s32 $0xFFFFC000  }
0x26: {  	[spmem:s9] =	stream.linear.scatter [tilespmem:s16], [sflag:$0x1], $0x4000, $0x38;
	[tilespmem:$0x1B940] =	vst v63  }
0x27: {  	_ =	swait.ge [sflag:s17], $0x4000  }
0x28: {  	[sflag:s17] =	ssyncset.done $0x0  }
0x29: {  	[sflag:s17] =	ssyncadd.s32 $0xFFFFC000  }
0x2a: {  	[spmem:s10] =	stream.linear.scatter [tilespmem:s16], [sflag:$0x1], $0x3800, $0x38;
	[tilespmem:$0x1B940] =	vst v63  }
0x2b: {  	_ =	swait.ge [sflag:s17], $0x3800  }
0x2c: {  	[sflag:s17] =	ssyncset.done $0x0  }
0x2d: {  	s23 =	simm.s32 @!p0 $0x80;
	[sflag:s17] =	ssyncadd.s32 $0xFFFFC800  }
0x2e: {  	[spmem:s11] =	stream.linear.scatter @!p0 [tilespmem:s23], [sflag:$0x1], $0x800, $0x38;
	[tilespmem:$0x1B940] =	vst v63  }
0x2f: {  	s23 =	simm.s32 @!p0 $0x1  }
0x30: {  	_ =	swait.ge @!p0 [sflag:s23], $0x800  }
0x31: {  	[sflag:s23] =	ssyncset.done @!p0 $0x0  }
0x32: {  	[sflag:s23] =	ssyncadd.s32 @!p0 $0xFFFFF800  }
0x33: {  	s31 =	sadd.s32 $0x0, s15;
	[bflag:$0x0] =	sbarrier.arrive $0xFFFF  }
0x34: {  	[tilespmem:s4], [sflag:$0x1] =	stream.linear.gather [hbm4b:s31+s4], $0x80, $0x38;
	[tilespmem:$0x1B940] =	vst v63  }
0x35: {  	_ =	swait.ge [sflag:s17], $0x80  }
0x36: {  	[sflag:s17] =	ssyncset.done $0x0  }
0x37: {  	[sflag:s17] =	ssyncadd.s32 $0xFFFFFF80  }
0x38: {  	[spmem:s2] =	stream.indirect.scatter.add.f32 [tilespmem:s18], [sflag:$0x1], $0x80, s4, s16, $0xb8;
	[tilespmem:$0x1B940] =	vst v63  }
0x39: {  	_ =	swait.ge [sflag:s17], $0x4000  }
0x3a: {  	s24 =	simm.s32 $0x20;
	s23 =	simm.s32 $0x10;
	[sflag:s17] =	ssyncset.done $0x0  }
.LBB2_2:
0x3b: {  	s25 =	sadd.s32 s23, s15  }
0x3c: {  	[sflag:s17] =	ssyncadd.s32 $0xFFFFC000;
	s23 =	smov.u32 s24;
	s26 =	sadd.s32 $0x10, s24  }
0x3d: {  	[tilespmem:s4], [sflag:$0x1] =	stream.linear.gather [hbm4b:s25+s4], $0x80, $0x38;
	[tilespmem:$0x1B940] =	vst v63  }
0x3e: {  	p1 =	sne.s32 s24, $0x4E0;
	_ =	swait.ge [sflag:s17], $0x80  }
.Ltmp0:
0x3f: {  	[sflag:s17] =	ssyncset.done $0x0;
	(pc) =	sbr.rel @p1 .LBB2_2-.Ltmp0, $4  }
0x40: {  	[sflag:s17] =	ssyncadd.s32 $0xFFFFFF80  }
0x41: {  	[spmem:s2] =	stream.indirect.scatter.add.f32 [tilespmem:s18], [sflag:$0x1], $0x80, s4, s16, $0xb8;
	[tilespmem:$0x1B940] =	vst v63  }
0x42: {  	_ =	swait.ge [sflag:s17], $0x4000  }
0x43: {  	s24 =	smov.u32 s26;
	[sflag:s17] =	ssyncset.done $0x0  }
0x44: {  	s23 =	sadd.s32 s23, s15;
	[sflag:s17] =	ssyncadd.s32 $0xFFFFC000  }
0x45: {  	[tilespmem:s4], [sflag:$0x1] =	stream.linear.gather [hbm4b:s23+s4], $0x80, $0x38;
	[tilespmem:$0x1B940] =	vst v63  }
0x46: {  	_ =	swait.ge [sflag:s17], $0x80  }
0x47: {  	[sflag:s17] =	ssyncset.done $0x0  }
0x48: {  	[sflag:s17] =	ssyncadd.s32 $0xFFFFFF80  }
0x49: {  	[spmem:s2] =	stream.indirect.scatter.add.f32 [tilespmem:s18], [sflag:$0x1], $0x80, s4, s16, $0xb8;
	[tilespmem:$0x1B940] =	vst v63  }
0x4a: {  	_ =	swait.ge [sflag:s17], $0x4000  }
0x4b: {  	[sflag:s17] =	ssyncset.done $0x0  }
0x4c: {  	[sflag:s17] =	ssyncadd.s32 $0xFFFFC000  }
0x4d: {  	[bflag:$0x0] =	sbarrier.arrive $0xFFFF  }
0x4e: {  	[hbm:s12], [sflag:s19] =	dma.local [spmem:s20], $0x2700  }
0x4f: {  	s22 =	sadd.s32 $0x1, s22;
	_ =	swait.ge [sflag:s17], $0x2700  }
0x50: {  	p1 =	sne.s32 s22, s14;
	[sflag:s17] =	ssyncset.done $0x0  }
.Ltmp1:
0x51: {  	s23 =	simm.s32 @!p0 $0x1;
	[sflag:s17] =	ssyncadd.s32 $0xFFFFD900;
	(pc) =	sbr.rel @p1 .LBB2_1-.Ltmp1, $4  }
0x52: {  	[hbm:s13], [sflag:s19] =	dma.local @!p0 [spmem:s21], $0x100  }
0x53: {  	_ =	swait.ge @!p0 [sflag:s23], $0x100  }
0x54: {  	[sflag:s23] =	ssyncset.done @!p0 $0x0  }
0x55: {  	[sflag:s23] =	ssyncadd.s32 @!p0 $0xFFFFFF00  }
0x56: {  	_ =	sfence.sel $0x180000  }
0x57: {  	[bflag:$0x0] =	sbarrier.arrive $0xFFFF  }
0x58: {  	p0 =	sne.s32 s3, $0x0;
	_ =	strace $0x9000004A  }
0x59: {  	s0 =	sadd.s32 @!p0 $0x100000, s0;
	[bflag:$0x2] =	sbarrier.arrive $0xFFFF  }
0x5a: {  	[sflag:s0] =	ssyncadd.tile.s32 @!p0 $0x1;
	_ =	shalt  }
.Lfunc_end2:
_tile_overlayer_lowered:
.L_overlay_start_2:
0x5b: {  	(tag) =	ssettag $0x2  }
0x5c: {  	s0 =	rddreg [dreg:$0x0];
	s2 =	stileid.u32  }
0x5d: {  	s1 =	rddreg [dreg:$0x1];
	p0 =	sne.s32 s2, $0x0  }
0x5e: {  	s3 =	rddreg [dreg:$0x2];
	[bflag:$0x3] =	sbarrier.arrive $0xFFFF;
	s2 =	simm.s32 @!p0 $0x1C01  }
0x5f: {  	[timem:s3], [sflag:s2] =	dma.local @!p0 [hbm:s0], s1  }
0x60: {  	s0 =	simm.s32 @!p0 $0x1  }
0x61: {  	_ =	swait.ge @!p0 [sflag:s0], s1  }
0x62: {  	s1 =	ssub.s32 @!p0 $0x0, s1;
	[sflag:s0] =	ssyncset.done @!p0 $0x0  }
0x63: {  	[sflag:s0] =	ssyncadd.s32 @!p0 s1  }
0x64: {  	[bflag:$0x3] =	sbarrier.arrive $0xFFFF  }
0x65: {  	_ =	shalt  }

</sc_bundles>
